<compile_context>
chip_gen: v7x
topology: tpu7x:2x2x1
jax: 0.10.2.dev20260603
libtpu: 0.0.44.dev20260713+nightly
codegen_flags: <defaults>
</compile_context>

<pallas_src>
import dataclasses
import functools

import jax
import jax.numpy as jnp
from jax import lax
from jax.experimental import pallas as pl
from jax.experimental.pallas import tpu as pltpu
from jax.experimental.pallas import tpu_sc as plsc

N_NODES = 10000
N_EDGES = 320000
HID = 128
GAU = 50
LANES = 16

CHUNK = 64
NUM_CHUNKS = N_EDGES // CHUNK
NC, NS = 2, 16
NW = NC * NS
STEPS = NUM_CHUNKS // NW
TAIL = NUM_CHUNKS - STEPS * NW
NBUF = 3
ROWS_MAIN = 624
ROWS_TAIL = N_NODES - ROWS_MAIN * NS


def _edge_mlp_block(a_ref, w1_ref, b1_ref, w2_ref, b2_ref, o_ref):
    x = jnp.dot(a_ref[...], w1_ref[...], preferred_element_type=jnp.float32)
    x = jnp.maximum(x + b1_ref[...], 0.0)
    w = (jnp.dot(x.astype(jnp.bfloat16), w2_ref[...],
                 preferred_element_type=jnp.float32) + b2_ref[...])
    wl = jax.lax.bitcast_convert_type(
        w[:, :HID // 2].astype(jnp.bfloat16).astype(jnp.float32), jnp.uint32)
    wh = jax.lax.bitcast_convert_type(
        w[:, HID // 2:].astype(jnp.bfloat16).astype(jnp.float32), jnp.uint32)
    o_ref[...] = (wl >> 16) | (wh & jnp.uint32(0xFFFF0000))


def _edge_mlp(edge_attr, W1, b1, W2, b2):
    BE = 6400
    ea = jnp.pad(edge_attr.astype(jnp.bfloat16), ((0, 0), (0, HID - GAU)))
    W1p = jnp.pad(W1.astype(jnp.bfloat16), ((0, HID - GAU), (0, 0)))
    return pl.pallas_call(
        _edge_mlp_block,
        grid=(edge_attr.shape[0] // BE,),
        in_specs=[
            pl.BlockSpec((BE, HID), lambda i: (i, 0)),
            pl.BlockSpec((HID, HID), lambda i: (0, 0)),
            pl.BlockSpec((1, HID), lambda i: (0, 0)),
            pl.BlockSpec((HID, HID), lambda i: (0, 0)),
            pl.BlockSpec((1, HID), lambda i: (0, 0)),
        ],
        out_specs=pl.BlockSpec((BE, HID // 2), lambda i: (i, 0)),
        out_shape=jax.ShapeDtypeStruct((edge_attr.shape[0], HID // 2),
                                       jnp.uint32),
    )(ea, W1p, b1.reshape(1, HID), W2.astype(jnp.bfloat16),
      b2.reshape(1, HID))



def _sc_message_agg(w_e, src, dst, h_bf, zrows):
    mesh = plsc.VectorSubcoreMesh(core_axis_name="c", subcore_axis_name="s")

    scratch = (
        [pltpu.VMEM((CHUNK,), jnp.int32) for _ in range(2 * NBUF)]
        + [pltpu.VMEM((CHUNK, HID // 2), jnp.uint32) for _ in range(NBUF)]
        + [pltpu.VMEM((CHUNK, HID), jnp.float32) for _ in range(NBUF)]
        + [pltpu.VMEM_SHARED((N_NODES, HID), jnp.float32)]
        + [pltpu.SemaphoreType.DMA for _ in range(2 * NBUF)]
    )

    cp = pltpu.CompilerParams()
    if "needs_layout_passes" in pltpu.CompilerParams.__dataclass_fields__:
        cp = dataclasses.replace(cp, needs_layout_passes=False)

    @functools.partial(
        pl.kernel,
        mesh=mesh,
        out_type=jax.ShapeDtypeStruct((NC, N_NODES, HID), jnp.float32),
        scratch_types=scratch,
        compiler_params=cp,
    )
    def k(w_hbm, src_hbm, dst_hbm, h_hbm, z_hbm, out_hbm, *refs):
        src_v = refs[0:NBUF]
        dst_v = refs[NBUF:2 * NBUF]
        w_v = refs[2 * NBUF:3 * NBUF]
        hg_v = refs[3 * NBUF:4 * NBUF]
        agg_sh = refs[4 * NBUF]
        sem_i = refs[4 * NBUF + 1: 4 * NBUF + 1 + NBUF]
        sem_d = refs[4 * NBUF + 1 + NBUF: 4 * NBUF + 1 + 2 * NBUF]

        cid = lax.axis_index("c")
        sid = lax.axis_index("s")
        wid = sid * NC + cid
        row0 = sid * ROWS_MAIN

        pltpu.sync_copy(z_hbm, agg_sh.at[pl.ds(row0, ROWS_MAIN)])

        @pl.when(sid == 0)
        def _():
            pltpu.sync_copy(z_hbm.at[pl.ds(0, ROWS_TAIL)],
                            agg_sh.at[pl.ds(ROWS_MAIN * NS, ROWS_TAIL)])

        plsc.subcore_barrier()

        def chunk_id(s):
            return jnp.minimum(wid + s * NW, NUM_CHUNKS - 1)

        def idx_start(b, s):
            base = chunk_id(s) * CHUNK
            pltpu.async_copy(src_hbm.at[pl.ds(base, CHUNK)], src_v[b],
                             sem_i[b])
            pltpu.async_copy(dst_hbm.at[pl.ds(base, CHUNK)], dst_v[b],
                             sem_i[b])

        def idx_wait(b, s):
            base = chunk_id(s) * CHUNK
            pltpu.make_async_copy(src_hbm.at[pl.ds(base, CHUNK)], src_v[b],
                                  sem_i[b]).wait()
            pltpu.make_async_copy(dst_hbm.at[pl.ds(base, CHUNK)], dst_v[b],
                                  sem_i[b]).wait()

        def big_start(b, s):
            base = chunk_id(s) * CHUNK
            pltpu.async_copy(w_hbm.at[pl.ds(base, CHUNK)], w_v[b], sem_d[b])
            pltpu.async_copy(h_hbm.at[dst_v[b]], hg_v[b], sem_d[b])

        def big_wait(b, s):
            base = chunk_id(s) * CHUNK
            pltpu.make_async_copy(w_hbm.at[pl.ds(base, CHUNK)], w_v[b],
                                  sem_d[b]).wait()
            pltpu.make_async_copy(h_hbm.at[dst_v[b]], hg_v[b],
                                  sem_d[b]).wait()

        hi_mask = jnp.uint32(0xFFFF0000)

        def multiply(b):
            @pl.loop(0, CHUNK, step=2)
            def _(r):
                for rr in range(2):
                    for q in range(HID // 2 // LANES):
                        wb = w_v[b].at[r + rr,
                                       pl.ds(q * LANES, LANES)][...]
                        w_lo = plsc.bitcast(wb << 16, jnp.float32)
                        w_hi = plsc.bitcast(wb & hi_mask, jnp.float32)
                        sl_lo = (r + rr, pl.ds(q * LANES, LANES))
                        sl_hi = (r + rr,
                                 pl.ds(HID // 2 + q * LANES, LANES))
                        hg_v[b].at[sl_lo][...] = (
                            hg_v[b].at[sl_lo][...] * w_lo)
                        hg_v[b].at[sl_hi][...] = (
                            hg_v[b].at[sl_hi][...] * w_hi)

        def scatter(b):
            pltpu.sync_copy(hg_v[b], agg_sh.at[src_v[b]], add=True)

        idx_start(0, 0)
        idx_wait(0, 0)
        big_start(0, 0)
        idx_start(1, 1)

        @pl.loop(0, STEPS, step=NBUF)
        def _(s0):
            for p in range(NBUF):
                b = p
                nb = (p + 1) % NBUF
                fb = (p + 2) % NBUF
                s = s0 + p
                idx_wait(nb, s + 1)
                big_start(nb, s + 1)
                idx_start(fb, s + 2)
                big_wait(b, s)
                multiply(b)
                scatter(b)

        big_wait(STEPS % NBUF, STEPS)
        idx_wait((STEPS + 1) % NBUF, STEPS + 1)

        @pl.when(wid < TAIL)
        def _():
            base = (STEPS * NW + wid) * CHUNK
            pltpu.sync_copy(src_hbm.at[pl.ds(base, CHUNK)], src_v[0])
            pltpu.sync_copy(dst_hbm.at[pl.ds(base, CHUNK)], dst_v[0])
            pltpu.async_copy(w_hbm.at[pl.ds(base, CHUNK)], w_v[0], sem_d[0])
            pltpu.async_copy(h_hbm.at[dst_v[0]], hg_v[0], sem_d[0])
            pltpu.make_async_copy(w_hbm.at[pl.ds(base, CHUNK)], w_v[0],
                                  sem_d[0]).wait()
            pltpu.make_async_copy(h_hbm.at[dst_v[0]], hg_v[0],
                                  sem_d[0]).wait()
            multiply(0)
            scatter(0)

        plsc.subcore_barrier()

        pltpu.sync_copy(agg_sh.at[pl.ds(row0, ROWS_MAIN)],
                        out_hbm.at[cid, pl.ds(row0, ROWS_MAIN)])

        @pl.when(sid == 0)
        def _():
            pltpu.sync_copy(agg_sh.at[pl.ds(ROWS_MAIN * NS, ROWS_TAIL)],
                            out_hbm.at[cid, pl.ds(ROWS_MAIN * NS, ROWS_TAIL)])

    return k(w_e, src, dst, h_bf, zrows)



def _output_block(h_ref, agg_ref, wl_ref, bl_ref, o_ref):
    x = h_ref[...] + agg_ref[0] + agg_ref[1]
    o_ref[...] = (
        jnp.dot(x, wl_ref[...], preferred_element_type=jnp.float32) + bl_ref[...]
    )


def _output_proj(h_sig, agg, Wl_sig, bl):
    BN = 2000
    return pl.pallas_call(
        _output_block,
        grid=(N_NODES // BN,),
        in_specs=[
            pl.BlockSpec((BN, HID), lambda i: (i, 0)),
            pl.BlockSpec((NC, BN, HID), lambda i: (0, i, 0)),
            pl.BlockSpec((HID, HID), lambda i: (0, 0)),
            pl.BlockSpec((1, HID), lambda i: (0, 0)),
        ],
        out_specs=pl.BlockSpec((BN, HID), lambda i: (i, 0)),
        out_shape=jax.ShapeDtypeStruct((N_NODES, HID), jnp.float32),
    )(h_sig, agg, Wl_sig, bl.reshape(1, HID))


def kernel(h, edge_index, edge_weight, edge_attr, W1, b1, W2, b2, Wl, bl):
    del edge_weight
    w_e = _edge_mlp(edge_attr, W1, b1, W2, b2)
    zrows = jnp.zeros((ROWS_MAIN, HID), jnp.float32)
    agg = _sc_message_agg(w_e, edge_index[0], edge_index[1], h, zrows)
    return _output_proj(h, agg, Wl, bl)

# --- scband reference (transcript-rebuilt; emitter-appended) ---
"""Pipeline reference for scband-interaction-block-35201551958457 (READ-ONLY COPY).

The authoritative reference and input builder live on the scoring server;
editing this copy changes nothing except your own understanding.
"""

import jax, jax.numpy as jnp
import numpy as np

N = 10000
E = 320000
HID = 128
FIL = 128
GAU = 50


def setup_inputs(seed: int = 0) -> dict:
    key = jax.random.key(seed)
    ks = jax.random.split(key, 10)
    h = jax.random.normal(ks[0], (N, HID), dtype=jnp.float32)
    edge_index = jax.random.randint(ks[1], (2, E), 0, N, dtype=jnp.int32)
    edge_weight = jax.random.uniform(ks[2], (E,), dtype=jnp.float32)
    edge_attr = jax.random.normal(ks[3], (E, GAU), dtype=jnp.float32)
    # learned parameters
    W1 = jax.random.normal(ks[4], (GAU, FIL), dtype=jnp.float32) * (1.0 / np.sqrt(GAU))
    b1 = jnp.zeros((FIL,), dtype=jnp.float32)
    W2 = jax.random.normal(ks[5], (FIL, HID), dtype=jnp.float32) * (1.0 / np.sqrt(FIL))
    b2 = jnp.zeros((HID,), dtype=jnp.float32)
    Wl = jax.random.normal(ks[6], (HID, HID), dtype=jnp.float32) * (1.0 / np.sqrt(HID))
    bl = jnp.zeros((HID,), dtype=jnp.float32)
    return {"h": h, "edge_index": edge_index, "edge_weight": edge_weight,
            "edge_attr": edge_attr, "W1": W1, "b1": b1, "W2": W2, "b2": b2,
            "Wl": Wl, "bl": bl}


def reference(h, edge_index, edge_weight, edge_attr, W1, b1, W2, b2, Wl, bl):
    # filter-generating MLP: Linear -> ReLU -> Linear
    W = jnp.maximum(edge_attr @ W1 + b1, 0.0) @ W2 + b2  # [E, HID]
    src = edge_index[0]
    dst = edge_index[1]
    # messages: for edge (src=i, dst=j), message to node i is W_e * h[j]
    msgs = W * jnp.take(h, dst, axis=0)  # [E, HID]
    agg = jax.ops.segment_sum(msgs, src, num_segments=h.shape[0])  # [N, HID]
    h_new = h + agg
    return h_new @ Wl + bl

if __name__ == "__main__":
    import jax
    _d = setup_inputs()
    print(jax.jit(kernel)(*tuple(_d.values())))

</pallas_src>

<mosaic_0001>
#map = affine_map<(d0, d1) -> (0, 0)>
#map1 = affine_map<(d0, d1) -> (0)>
#map2 = affine_map<(d0, d1) -> (0, 0, 0)>
module attributes {stable_mosaic.version = 14 : i64} {
  func.func @k(%arg0: i32, %arg1: i32, %arg2: memref<320000x64xi32, #tpu.memory_space<hbm>>, %arg3: memref<320000xi32, #tpu.memory_space<hbm>>, %arg4: memref<320000xi32, #tpu.memory_space<hbm>>, %arg5: memref<10000x128xf32, #tpu.memory_space<hbm>>, %arg6: memref<624x128xf32, #tpu.memory_space<hbm>>, %arg7: memref<2x10000x128xf32, #tpu.memory_space<hbm>>, %arg8: memref<64xi32, #tpu.memory_space<vmem>>, %arg9: memref<64xi32, #tpu.memory_space<vmem>>, %arg10: memref<64xi32, #tpu.memory_space<vmem>>, %arg11: memref<64xi32, #tpu.memory_space<vmem>>, %arg12: memref<64xi32, #tpu.memory_space<vmem>>, %arg13: memref<64xi32, #tpu.memory_space<vmem>>, %arg14: memref<64x64xi32, #tpu.memory_space<vmem>>, %arg15: memref<64x64xi32, #tpu.memory_space<vmem>>, %arg16: memref<64x64xi32, #tpu.memory_space<vmem>>, %arg17: memref<64x128xf32, #tpu.memory_space<vmem>>, %arg18: memref<64x128xf32, #tpu.memory_space<vmem>>, %arg19: memref<64x128xf32, #tpu.memory_space<vmem>>, %arg20: memref<10000x128xf32, #tpu.memory_space<vmem_shared>>, %arg21: memref<!tpu.dma_semaphore, #tpu.memory_space<semaphore_mem>>, %arg22: memref<!tpu.dma_semaphore, #tpu.memory_space<semaphore_mem>>, %arg23: memref<!tpu.dma_semaphore, #tpu.memory_space<semaphore_mem>>, %arg24: memref<!tpu.dma_semaphore, #tpu.memory_space<semaphore_mem>>, %arg25: memref<!tpu.dma_semaphore, #tpu.memory_space<semaphore_mem>>, %arg26: memref<!tpu.dma_semaphore, #tpu.memory_space<semaphore_mem>>) attributes {dimension_semantics = [#tpu.dimension_semantics<core_parallel>, #tpu.dimension_semantics<subcore_parallel>], iteration_bounds = array<i64: 2, 16>, scalar_prefetch = 0 : i64, scratch_operands = 19 : i64, tpu.core_type = #tpu.core_type<sc_vector_subcore>, window_params = [{transform_indices = #map}, {transform_indices = #map1}, {transform_indices = #map1}, {transform_indices = #map}, {transform_indices = #map}, {transform_indices = #map2}]} {
    %mul3A = arith.constant 2 : i32
    %mul3A_0 = arith.muli %arg1, %mul3A : i32
    %add3A = arith.addi %mul3A_0, %arg0 : i32
    %mul3A_1 = arith.constant 624 : i32
    %mul3A_2 = arith.muli %arg1, %mul3A_1 : i32
    "tpu.region"() ({
      %run_scoped3A = tpu.sem_alloc : memref<!tpu.dma_semaphore, #tpu.memory_space<semaphore_mem>>
      %dma_start3A_84 = arith.constant 0 : i32
      %dma_start3A_85 = tpu.memref_slice %arg20[%mul3A_2, %dma_start3A_84] : memref<10000x128xf32, #tpu.memory_space<vmem_shared>> -> memref<624x128xf32, #tpu.memory_space<vmem_shared>>
      tpu.enqueue_dma source(%arg6 : memref<624x128xf32, #tpu.memory_space<hbm>>) target(%dma_start3A_85 : memref<624x128xf32, #tpu.memory_space<vmem_shared>>) target_semaphore(%run_scoped3A : memref<!tpu.dma_semaphore, #tpu.memory_space<semaphore_mem>>)
      %dma_wait3A_86 = arith.constant 0 : i32
      %dma_wait3A_87 = tpu.memref_slice %arg20[%mul3A_2, %dma_wait3A_86] : memref<10000x128xf32, #tpu.memory_space<vmem_shared>> -> memref<624x128xf32, #tpu.memory_space<vmem_shared>>
      tpu.wait_dma2 semaphore(%run_scoped3A : memref<!tpu.dma_semaphore, #tpu.memory_space<semaphore_mem>>) src(%arg6 : memref<624x128xf32, #tpu.memory_space<hbm>>) dst(%dma_wait3A_87 : memref<624x128xf32, #tpu.memory_space<vmem_shared>>)
      tpu.yield
    }) : () -> ()
    %eq3A = arith.constant 0 : i32
    %eq3A_3 = arith.cmpi eq, %arg1, %eq3A : i32
    %convert_element_type3A = arith.extui %eq3A_3 : i1 to i32
    %cond3A = arith.constant 0 : i32
    %cond3A_4 = arith.cmpi ne, %convert_element_type3A, %cond3A : i32
    scf.if %cond3A_4 {
      "tpu.region"() ({
        %run_scoped3A = tpu.sem_alloc : memref<!tpu.dma_semaphore, #tpu.memory_space<semaphore_mem>>
        %dma_start3A_84 = arith.constant 9984 : i32
        %dma_start3A_85 = arith.constant 0 : i32
        %dma_start3A_86 = tpu.memref_slice %arg20[%dma_start3A_84, %dma_start3A_85] : memref<10000x128xf32, #tpu.memory_space<vmem_shared>> -> memref<16x128xf32, #tpu.memory_space<vmem_shared>>
        %dma_start3A_87 = arith.constant 0 : i32
        %dma_start3A_88 = arith.constant 0 : i32
        %dma_start3A_89 = tpu.memref_slice %arg6[%dma_start3A_87, %dma_start3A_88] : memref<624x128xf32, #tpu.memory_space<hbm>> -> memref<16x128xf32, #tpu.memory_space<hbm>>
        tpu.enqueue_dma source(%dma_start3A_89 : memref<16x128xf32, #tpu.memory_space<hbm>>) target(%dma_start3A_86 : memref<16x128xf32, #tpu.memory_space<vmem_shared>>) target_semaphore(%run_scoped3A : memref<!tpu.dma_semaphore, #tpu.memory_space<semaphore_mem>>)
        %dma_wait3A_90 = arith.constant 9984 : i32
        %dma_wait3A_91 = arith.constant 0 : i32
        %dma_wait3A_92 = tpu.memref_slice %arg20[%dma_wait3A_90, %dma_wait3A_91] : memref<10000x128xf32, #tpu.memory_space<vmem_shared>> -> memref<16x128xf32, #tpu.memory_space<vmem_shared>>
        %dma_wait3A_93 = arith.constant 0 : i32
        %dma_wait3A_94 = arith.constant 0 : i32
        %dma_wait3A_95 = tpu.memref_slice %arg6[%dma_wait3A_93, %dma_wait3A_94] : memref<624x128xf32, #tpu.memory_space<hbm>> -> memref<16x128xf32, #tpu.memory_space<hbm>>
        tpu.wait_dma2 semaphore(%run_scoped3A : memref<!tpu.dma_semaphore, #tpu.memory_space<semaphore_mem>>) src(%dma_wait3A_95 : memref<16x128xf32, #tpu.memory_space<hbm>>) dst(%dma_wait3A_92 : memref<16x128xf32, #tpu.memory_space<vmem_shared>>)
        tpu.yield
      }) : () -> ()
    } else {
    }
    %barrier3A = arith.constant 0 : index
    tpu.barrier barrier_id(%barrier3A)
    %add3A_5 = arith.constant 0 : i32
    %add3A_6 = arith.addi %add3A, %add3A_5 : i32
    %min3A = arith.constant 4999 : i32
    %min3A_7 = arith.minsi %add3A_6, %min3A : i32
    %mul3A_8 = arith.constant 64 : i32
    %mul3A_9 = arith.muli %min3A_7, %mul3A_8 : i32
    %dma_start3A = tpu.memref_slice %arg3[%mul3A_9] : memref<320000xi32, #tpu.memory_space<hbm>> -> memref<64xi32, #tpu.memory_space<hbm>>
    %dma_start3A_10 = tpu.memref_slice %arg3[%mul3A_9] : memref<320000xi32, #tpu.memory_space<hbm>> -> memref<64xi32, #tpu.memory_space<hbm>>
    tpu.enqueue_dma source(%dma_start3A_10 : memref<64xi32, #tpu.memory_space<hbm>>) target(%arg8 : memref<64xi32, #tpu.memory_space<vmem>>) target_semaphore(%arg21 : memref<!tpu.dma_semaphore, #tpu.memory_space<semaphore_mem>>)
    %dma_start3A_11 = tpu.memref_slice %arg4[%mul3A_9] : memref<320000xi32, #tpu.memory_space<hbm>> -> memref<64xi32, #tpu.memory_space<hbm>>
    %dma_start3A_12 = tpu.memref_slice %arg4[%mul3A_9] : memref<320000xi32, #tpu.memory_space<hbm>> -> memref<64xi32, #tpu.memory_space<hbm>>
    tpu.enqueue_dma source(%dma_start3A_12 : memref<64xi32, #tpu.memory_space<hbm>>) target(%arg11 : memref<64xi32, #tpu.memory_space<vmem>>) target_semaphore(%arg21 : memref<!tpu.dma_semaphore, #tpu.memory_space<semaphore_mem>>)
    %add3A_13 = arith.constant 0 : i32
    %add3A_14 = arith.addi %add3A, %add3A_13 : i32
    %min3A_15 = arith.constant 4999 : i32
    %min3A_16 = arith.minsi %add3A_14, %min3A_15 : i32
    %mul3A_17 = arith.constant 64 : i32
    %mul3A_18 = arith.muli %min3A_16, %mul3A_17 : i32
    %dma_wait3A = tpu.memref_slice %arg3[%mul3A_18] : memref<320000xi32, #tpu.memory_space<hbm>> -> memref<64xi32, #tpu.memory_space<hbm>>
    %dma_wait3A_19 = tpu.memref_slice %arg3[%mul3A_18] : memref<320000xi32, #tpu.memory_space<hbm>> -> memref<64xi32, #tpu.memory_space<hbm>>
    tpu.wait_dma2 semaphore(%arg21 : memref<!tpu.dma_semaphore, #tpu.memory_space<semaphore_mem>>) src(%dma_wait3A_19 : memref<64xi32, #tpu.memory_space<hbm>>) dst(%arg8 : memref<64xi32, #tpu.memory_space<vmem>>)
    %dma_wait3A_20 = tpu.memref_slice %arg4[%mul3A_18] : memref<320000xi32, #tpu.memory_space<hbm>> -> memref<64xi32, #tpu.memory_space<hbm>>
    %dma_wait3A_21 = tpu.memref_slice %arg4[%mul3A_18] : memref<320000xi32, #tpu.memory_space<hbm>> -> memref<64xi32, #tpu.memory_space<hbm>>
    tpu.wait_dma2 semaphore(%arg21 : memref<!tpu.dma_semaphore, #tpu.memory_space<semaphore_mem>>) src(%dma_wait3A_21 : memref<64xi32, #tpu.memory_space<hbm>>) dst(%arg11 : memref<64xi32, #tpu.memory_space<vmem>>)
    %add3A_22 = arith.constant 0 : i32
    %add3A_23 = arith.addi %add3A, %add3A_22 : i32
    %min3A_24 = arith.constant 4999 : i32
    %min3A_25 = arith.minsi %add3A_23, %min3A_24 : i32
    %mul3A_26 = arith.constant 64 : i32
    %mul3A_27 = arith.muli %min3A_25, %mul3A_26 : i32
    %dma_start3A_28 = arith.constant 0 : i32
    %dma_start3A_29 = tpu.memref_slice %arg2[%mul3A_27, %dma_start3A_28] : memref<320000x64xi32, #tpu.memory_space<hbm>> -> memref<64x64xi32, #tpu.memory_space<hbm>>
    %dma_start3A_30 = arith.constant 0 : i32
    %dma_start3A_31 = tpu.memref_slice %arg2[%mul3A_27, %dma_start3A_30] : memref<320000x64xi32, #tpu.memory_space<hbm>> -> memref<64x64xi32, #tpu.memory_space<hbm>>
    tpu.enqueue_dma source(%dma_start3A_31 : memref<64x64xi32, #tpu.memory_space<hbm>>) target(%arg14 : memref<64x64xi32, #tpu.memory_space<vmem>>) target_semaphore(%arg24 : memref<!tpu.dma_semaphore, #tpu.memory_space<semaphore_mem>>)
    %dma_start3A_32 = arith.constant 0 : i32
    %dma_start3A_33 = arith.constant 0 : i32
    %dma_start3A_34 = tpu.memref_slice %arg5[%dma_start3A_32, %dma_start3A_33] : memref<10000x128xf32, #tpu.memory_space<hbm>> -> memref<10000x128xf32, #tpu.memory_space<hbm>>
    tpu.enqueue_indirect_dma source(%dma_start3A_34 : memref<10000x128xf32, #tpu.memory_space<hbm>>) target(%arg17 : memref<64x128xf32, #tpu.memory_space<vmem>>) offsets(%arg11 : memref<64xi32, #tpu.memory_space<vmem>>) semaphore(%arg24 : memref<!tpu.dma_semaphore, #tpu.memory_space<semaphore_mem>>)
    %add3A_35 = arith.constant 32 : i32
    %add3A_36 = arith.addi %add3A, %add3A_35 : i32
    %min3A_37 = arith.constant 4999 : i32
    %min3A_38 = arith.minsi %add3A_36, %min3A_37 : i32
    %mul3A_39 = arith.constant 64 : i32
    %mul3A_40 = arith.muli %min3A_38, %mul3A_39 : i32
    %dma_start3A_41 = tpu.memref_slice %arg3[%mul3A_40] : memref<320000xi32, #tpu.memory_space<hbm>> -> memref<64xi32, #tpu.memory_space<hbm>>
    %dma_start3A_42 = tpu.memref_slice %arg3[%mul3A_40] : memref<320000xi32, #tpu.memory_space<hbm>> -> memref<64xi32, #tpu.memory_space<hbm>>
    tpu.enqueue_dma source(%dma_start3A_42 : memref<64xi32, #tpu.memory_space<hbm>>) target(%arg9 : memref<64xi32, #tpu.memory_space<vmem>>) target_semaphore(%arg22 : memref<!tpu.dma_semaphore, #tpu.memory_space<semaphore_mem>>)
    %dma_start3A_43 = tpu.memref_slice %arg4[%mul3A_40] : memref<320000xi32, #tpu.memory_space<hbm>> -> memref<64xi32, #tpu.memory_space<hbm>>
    %dma_start3A_44 = tpu.memref_slice %arg4[%mul3A_40] : memref<320000xi32, #tpu.memory_space<hbm>> -> memref<64xi32, #tpu.memory_space<hbm>>
    tpu.enqueue_dma source(%dma_start3A_44 : memref<64xi32, #tpu.memory_space<hbm>>) target(%arg12 : memref<64xi32, #tpu.memory_space<vmem>>) target_semaphore(%arg22 : memref<!tpu.dma_semaphore, #tpu.memory_space<semaphore_mem>>)
    %scan3A = arith.constant -65536 : i32
    %scan3A_45 = arith.constant 0 : i32
    %scan3A_46 = arith.constant 52 : i32
    %scan3A_47 = arith.addi %scan3A_45, %scan3A_46 : i32
    %scan3A_48 = arith.constant 1 : i32
    scf.for %scan3A_84 = %scan3A_45 to %scan3A_47 step %scan3A_48  : i32 {
      %mul3A_85 = arith.constant 3 : i32
      %mul3A_86 = arith.muli %scan3A_84, %mul3A_85 : i32
      %add3A_87 = arith.constant 0 : i32
      %add3A_88 = arith.addi %add3A_87, %mul3A_86 : i32
      %add3A_89 = arith.constant 0 : i32
      %add3A_90 = arith.addi %add3A_88, %add3A_89 : i32
      %add3A_91 = arith.constant 1 : i32
      %add3A_92 = arith.addi %add3A_90, %add3A_91 : i32
      %mul3A_93 = arith.constant 32 : i32
      %mul3A_94 = arith.muli %add3A_92, %mul3A_93 : i32
      %add3A_95 = arith.addi %add3A, %mul3A_94 : i32
      %min3A_96 = arith.constant 4999 : i32
      %min3A_97 = arith.minsi %add3A_95, %min3A_96 : i32
      %mul3A_98 = arith.constant 64 : i32
      %mul3A_99 = arith.muli %min3A_97, %mul3A_98 : i32
      %dma_wait3A_100 = tpu.memref_slice %arg3[%mul3A_99] : memref<320000xi32, #tpu.memory_space<hbm>> -> memref<64xi32, #tpu.memory_space<hbm>>
      %dma_wait3A_101 = tpu.memref_slice %arg3[%mul3A_99] : memref<320000xi32, #tpu.memory_space<hbm>> -> memref<64xi32, #tpu.memory_space<hbm>>
      tpu.wait_dma2 semaphore(%arg22 : memref<!tpu.dma_semaphore, #tpu.memory_space<semaphore_mem>>) src(%dma_wait3A_101 : memref<64xi32, #tpu.memory_space<hbm>>) dst(%arg9 : memref<64xi32, #tpu.memory_space<vmem>>)
      %dma_wait3A_102 = tpu.memref_slice %arg4[%mul3A_99] : memref<320000xi32, #tpu.memory_space<hbm>> -> memref<64xi32, #tpu.memory_space<hbm>>
      %dma_wait3A_103 = tpu.memref_slice %arg4[%mul3A_99] : memref<320000xi32, #tpu.memory_space<hbm>> -> memref<64xi32, #tpu.memory_space<hbm>>
      tpu.wait_dma2 semaphore(%arg22 : memref<!tpu.dma_semaphore, #tpu.memory_space<semaphore_mem>>) src(%dma_wait3A_103 : memref<64xi32, #tpu.memory_space<hbm>>) dst(%arg12 : memref<64xi32, #tpu.memory_space<vmem>>)
      %add3A_104 = arith.constant 1 : i32
      %add3A_105 = arith.addi %add3A_90, %add3A_104 : i32
      %mul3A_106 = arith.constant 32 : i32
      %mul3A_107 = arith.muli %add3A_105, %mul3A_106 : i32
      %add3A_108 = arith.addi %add3A, %mul3A_107 : i32
      %min3A_109 = arith.constant 4999 : i32
      %min3A_110 = arith.minsi %add3A_108, %min3A_109 : i32
      %mul3A_111 = arith.constant 64 : i32
      %mul3A_112 = arith.muli %min3A_110, %mul3A_111 : i32
      %dma_start3A_113 = arith.constant 0 : i32
      %dma_start3A_114 = tpu.memref_slice %arg2[%mul3A_112, %dma_start3A_113] : memref<320000x64xi32, #tpu.memory_space<hbm>> -> memref<64x64xi32, #tpu.memory_space<hbm>>
      %dma_start3A_115 = arith.constant 0 : i32
      %dma_start3A_116 = tpu.memref_slice %arg2[%mul3A_112, %dma_start3A_115] : memref<320000x64xi32, #tpu.memory_space<hbm>> -> memref<64x64xi32, #tpu.memory_space<hbm>>
      tpu.enqueue_dma source(%dma_start3A_116 : memref<64x64xi32, #tpu.memory_space<hbm>>) target(%arg15 : memref<64x64xi32, #tpu.memory_space<vmem>>) target_semaphore(%arg25 : memref<!tpu.dma_semaphore, #tpu.memory_space<semaphore_mem>>)
      %dma_start3A_117 = arith.constant 0 : i32
      %dma_start3A_118 = arith.constant 0 : i32
      %dma_start3A_119 = tpu.memref_slice %arg5[%dma_start3A_117, %dma_start3A_118] : memref<10000x128xf32, #tpu.memory_space<hbm>> -> memref<10000x128xf32, #tpu.memory_space<hbm>>
      tpu.enqueue_indirect_dma source(%dma_start3A_119 : memref<10000x128xf32, #tpu.memory_space<hbm>>) target(%arg18 : memref<64x128xf32, #tpu.memory_space<vmem>>) offsets(%arg12 : memref<64xi32, #tpu.memory_space<vmem>>) semaphore(%arg25 : memref<!tpu.dma_semaphore, #tpu.memory_space<semaphore_mem>>)
      %add3A_120 = arith.constant 2 : i32
      %add3A_121 = arith.addi %add3A_90, %add3A_120 : i32
      %mul3A_122 = arith.constant 32 : i32
      %mul3A_123 = arith.muli %add3A_121, %mul3A_122 : i32
      %add3A_124 = arith.addi %add3A, %mul3A_123 : i32
      %min3A_125 = arith.constant 4999 : i32
      %min3A_126 = arith.minsi %add3A_124, %min3A_125 : i32
      %mul3A_127 = arith.constant 64 : i32
      %mul3A_128 = arith.muli %min3A_126, %mul3A_127 : i32
      %dma_start3A_129 = tpu.memref_slice %arg3[%mul3A_128] : memref<320000xi32, #tpu.memory_space<hbm>> -> memref<64xi32, #tpu.memory_space<hbm>>
      %dma_start3A_130 = tpu.memref_slice %arg3[%mul3A_128] : memref<320000xi32, #tpu.memory_space<hbm>> -> memref<64xi32, #tpu.memory_space<hbm>>
      tpu.enqueue_dma source(%dma_start3A_130 : memref<64xi32, #tpu.memory_space<hbm>>) target(%arg10 : memref<64xi32, #tpu.memory_space<vmem>>) target_semaphore(%arg23 : memref<!tpu.dma_semaphore, #tpu.memory_space<semaphore_mem>>)
      %dma_start3A_131 = tpu.memref_slice %arg4[%mul3A_128] : memref<320000xi32, #tpu.memory_space<hbm>> -> memref<64xi32, #tpu.memory_space<hbm>>
      %dma_start3A_132 = tpu.memref_slice %arg4[%mul3A_128] : memref<320000xi32, #tpu.memory_space<hbm>> -> memref<64xi32, #tpu.memory_space<hbm>>
      tpu.enqueue_dma source(%dma_start3A_132 : memref<64xi32, #tpu.memory_space<hbm>>) target(%arg13 : memref<64xi32, #tpu.memory_space<vmem>>) target_semaphore(%arg23 : memref<!tpu.dma_semaphore, #tpu.memory_space<semaphore_mem>>)
      %mul3A_133 = arith.constant 32 : i32
      %mul3A_134 = arith.muli %add3A_90, %mul3A_133 : i32
      %add3A_135 = arith.addi %add3A, %mul3A_134 : i32
      %min3A_136 = arith.constant 4999 : i32
      %min3A_137 = arith.minsi %add3A_135, %min3A_136 : i32
      %mul3A_138 = arith.constant 64 : i32
      %mul3A_139 = arith.muli %min3A_137, %mul3A_138 : i32
      %dma_wait3A_140 = arith.constant 0 : i32
      %dma_wait3A_141 = tpu.memref_slice %arg2[%mul3A_139, %dma_wait3A_140] : memref<320000x64xi32, #tpu.memory_space<hbm>> -> memref<64x64xi32, #tpu.memory_space<hbm>>
      %dma_wait3A_142 = arith.constant 0 : i32
      %dma_wait3A_143 = tpu.memref_slice %arg2[%mul3A_139, %dma_wait3A_142] : memref<320000x64xi32, #tpu.memory_space<hbm>> -> memref<64x64xi32, #tpu.memory_space<hbm>>
      tpu.wait_dma2 semaphore(%arg24 : memref<!tpu.dma_semaphore, #tpu.memory_space<semaphore_mem>>) src(%dma_wait3A_143 : memref<64x64xi32, #tpu.memory_space<hbm>>) dst(%arg14 : memref<64x64xi32, #tpu.memory_space<vmem>>)
      %dma_wait3A_144 = arith.constant 0 : i32
      %dma_wait3A_145 = arith.constant 0 : i32
      %dma_wait3A_146 = tpu.memref_slice %arg5[%dma_wait3A_144, %dma_wait3A_145] : memref<10000x128xf32, #tpu.memory_space<hbm>> -> memref<10000x128xf32, #tpu.memory_space<hbm>>
      tpu.wait_indirect_dma semaphore(%arg24 : memref<!tpu.dma_semaphore, #tpu.memory_space<semaphore_mem>>) src(%dma_wait3A_146 : memref<10000x128xf32, #tpu.memory_space<hbm>>) dst(%arg17 : memref<64x128xf32, #tpu.memory_space<vmem>>)
      %scan3A_147 = arith.constant 0 : i32
      %scan3A_148 = arith.constant 32 : i32
      %scan3A_149 = arith.addi %scan3A_147, %scan3A_148 : i32
      %scan3A_150 = arith.constant 1 : i32
      scf.for %scan3A_278 = %scan3A_147 to %scan3A_149 step %scan3A_150  : i32 {
        %mul3A_279 = arith.constant 2 : i32
        %mul3A_280 = arith.muli %scan3A_278, %mul3A_279 : i32
        %add3A_281 = arith.constant 0 : i32
        %add3A_282 = arith.addi %add3A_281, %mul3A_280 : i32
        %add3A_283 = arith.constant 0 : i32
        %add3A_284 = arith.addi %add3A_282, %add3A_283 : i32
        %get3A = arith.index_cast %add3A_284 : i32 to index
        %get3A_285 = arith.constant 0 : index
        %get3A_286 = tpu.vector_load %arg14[%get3A, %get3A_285] {strides = array<i32>} : memref<64x64xi32, #tpu.memory_space<vmem>>, vector<16xi32>,
        %shift_left3A = arith.constant 16 : i32
        %shift_left3A_287 = vector.broadcast %shift_left3A : i32 to vector<16xi32>
        %shift_left3A_288 = arith.shli %get3A_286, %shift_left3A_287 : vector<16xi32>
        %bitcast3A = vector.bitcast %shift_left3A_288 : vector<16xi32> to vector<16xf32>
        %and3A = vector.broadcast %scan3A : i32 to vector<16xi32>
        %and3A_289 = arith.andi %get3A_286, %and3A : vector<16xi32>
        %bitcast3A_290 = vector.bitcast %and3A_289 : vector<16xi32> to vector<16xf32>
        %add3A_291 = arith.constant 0 : i32
        %add3A_292 = arith.addi %add3A_282, %add3A_291 : i32
        %add3A_293 = arith.constant 0 : i32
        %add3A_294 = arith.addi %add3A_282, %add3A_293 : i32
        %get3A_295 = arith.index_cast %add3A_292 : i32 to index
        %get3A_296 = arith.constant 0 : index
        %get3A_297 = tpu.vector_load %arg17[%get3A_295, %get3A_296] {strides = array<i32>} : memref<64x128xf32, #tpu.memory_space<vmem>>, vector<16xf32>,
        %mul3A_298 = arith.mulf %get3A_297, %bitcast3A : vector<16xf32>
        %swap3A = arith.index_cast %add3A_292 : i32 to index
        %swap3A_299 = arith.constant 0 : index
        %swap3A_300 = tpu.vector_load %arg17[%swap3A, %swap3A_299] {strides = array<i32>} : memref<64x128xf32, #tpu.memory_space<vmem>>, vector<16xf32>,
        tpu.vector_store %arg17[%swap3A, %swap3A_299], %mul3A_298 {strides = array<i32>} : memref<64x128xf32, #tpu.memory_space<vmem>>, vector<16xf32>,
        %get3A_301 = arith.index_cast %add3A_294 : i32 to index
        %get3A_302 = arith.constant 64 : index
        %get3A_303 = tpu.vector_load %arg17[%get3A_301, %get3A_302] {strides = array<i32>} : memref<64x128xf32, #tpu.memory_space<vmem>>, vector<16xf32>,
        %mul3A_304 = arith.mulf %get3A_303, %bitcast3A_290 : vector<16xf32>
        %swap3A_305 = arith.index_cast %add3A_294 : i32 to index
        %swap3A_306 = arith.constant 64 : index
        %swap3A_307 = tpu.vector_load %arg17[%swap3A_305, %swap3A_306] {strides = array<i32>} : memref<64x128xf32, #tpu.memory_space<vmem>>, vector<16xf32>,
        tpu.vector_store %arg17[%swap3A_305, %swap3A_306], %mul3A_304 {strides = array<i32>} : memref<64x128xf32, #tpu.memory_space<vmem>>, vector<16xf32>,
        %add3A_308 = arith.constant 0 : i32
        %add3A_309 = arith.addi %add3A_282, %add3A_308 : i32
        %get3A_310 = arith.index_cast %add3A_309 : i32 to index
        %get3A_311 = arith.constant 16 : index
        %get3A_312 = tpu.vector_load %arg14[%get3A_310, %get3A_311] {strides = array<i32>} : memref<64x64xi32, #tpu.memory_space<vmem>>, vector<16xi32>,
        %shift_left3A_313 = arith.constant 16 : i32
        %shift_left3A_314 = vector.broadcast %shift_left3A_313 : i32 to vector<16xi32>
        %shift_left3A_315 = arith.shli %get3A_312, %shift_left3A_314 : vector<16xi32>
        %bitcast3A_316 = vector.bitcast %shift_left3A_315 : vector<16xi32> to vector<16xf32>
        %and3A_317 = vector.broadcast %scan3A : i32 to vector<16xi32>
        %and3A_318 = arith.andi %get3A_312, %and3A_317 : vector<16xi32>
        %bitcast3A_319 = vector.bitcast %and3A_318 : vector<16xi32> to vector<16xf32>
        %add3A_320 = arith.constant 0 : i32
        %add3A_321 = arith.addi %add3A_282, %add3A_320 : i32
        %add3A_322 = arith.constant 0 : i32
        %add3A_323 = arith.addi %add3A_282, %add3A_322 : i32
        %get3A_324 = arith.index_cast %add3A_321 : i32 to index
        %get3A_325 = arith.constant 16 : index
        %get3A_326 = tpu.vector_load %arg17[%get3A_324, %get3A_325] {strides = array<i32>} : memref<64x128xf32, #tpu.memory_space<vmem>>, vector<16xf32>,
        %mul3A_327 = arith.mulf %get3A_326, %bitcast3A_316 : vector<16xf32>
        %swap3A_328 = arith.index_cast %add3A_321 : i32 to index
        %swap3A_329 = arith.constant 16 : index
        %swap3A_330 = tpu.vector_load %arg17[%swap3A_328, %swap3A_329] {strides = array<i32>} : memref<64x128xf32, #tpu.memory_space<vmem>>, vector<16xf32>,
        tpu.vector_store %arg17[%swap3A_328, %swap3A_329], %mul3A_327 {strides = array<i32>} : memref<64x128xf32, #tpu.memory_space<vmem>>, vector<16xf32>,
        %get3A_331 = arith.index_cast %add3A_323 : i32 to index
        %get3A_332 = arith.constant 80 : index
        %get3A_333 = tpu.vector_load %arg17[%get3A_331, %get3A_332] {strides = array<i32>} : memref<64x128xf32, #tpu.memory_space<vmem>>, vector<16xf32>,
        %mul3A_334 = arith.mulf %get3A_333, %bitcast3A_319 : vector<16xf32>
        %swap3A_335 = arith.index_cast %add3A_323 : i32 to index
        %swap3A_336 = arith.constant 80 : index
        %swap3A_337 = tpu.vector_load %arg17[%swap3A_335, %swap3A_336] {strides = array<i32>} : memref<64x128xf32, #tpu.memory_space<vmem>>, vector<16xf32>,
        tpu.vector_store %arg17[%swap3A_335, %swap3A_336], %mul3A_334 {strides = array<i32>} : memref<64x128xf32, #tpu.memory_space<vmem>>, vector<16xf32>,
        %add3A_338 = arith.constant 0 : i32
        %add3A_339 = arith.addi %add3A_282, %add3A_338 : i32
        %get3A_340 = arith.index_cast %add3A_339 : i32 to index
        %get3A_341 = arith.constant 32 : index
        %get3A_342 = tpu.vector_load %arg14[%get3A_340, %get3A_341] {strides = array<i32>} : memref<64x64xi32, #tpu.memory_space<vmem>>, vector<16xi32>,
        %shift_left3A_343 = arith.constant 16 : i32
        %shift_left3A_344 = vector.broadcast %shift_left3A_343 : i32 to vector<16xi32>
        %shift_left3A_345 = arith.shli %get3A_342, %shift_left3A_344 : vector<16xi32>
        %bitcast3A_346 = vector.bitcast %shift_left3A_345 : vector<16xi32> to vector<16xf32>
        %and3A_347 = vector.broadcast %scan3A : i32 to vector<16xi32>
        %and3A_348 = arith.andi %get3A_342, %and3A_347 : vector<16xi32>
        %bitcast3A_349 = vector.bitcast %and3A_348 : vector<16xi32> to vector<16xf32>
        %add3A_350 = arith.constant 0 : i32
        %add3A_351 = arith.addi %add3A_282, %add3A_350 : i32
        %add3A_352 = arith.constant 0 : i32
        %add3A_353 = arith.addi %add3A_282, %add3A_352 : i32
        %get3A_354 = arith.index_cast %add3A_351 : i32 to index
        %get3A_355 = arith.constant 32 : index
        %get3A_356 = tpu.vector_load %arg17[%get3A_354, %get3A_355] {strides = array<i32>} : memref<64x128xf32, #tpu.memory_space<vmem>>, vector<16xf32>,
        %mul3A_357 = arith.mulf %get3A_356, %bitcast3A_346 : vector<16xf32>
        %swap3A_358 = arith.index_cast %add3A_351 : i32 to index
        %swap3A_359 = arith.constant 32 : index
        %swap3A_360 = tpu.vector_load %arg17[%swap3A_358, %swap3A_359] {strides = array<i32>} : memref<64x128xf32, #tpu.memory_space<vmem>>, vector<16xf32>,
        tpu.vector_store %arg17[%swap3A_358, %swap3A_359], %mul3A_357 {strides = array<i32>} : memref<64x128xf32, #tpu.memory_space<vmem>>, vector<16xf32>,
        %get3A_361 = arith.index_cast %add3A_353 : i32 to index
        %get3A_362 = arith.constant 96 : index
        %get3A_363 = tpu.vector_load %arg17[%get3A_361, %get3A_362] {strides = array<i32>} : memref<64x128xf32, #tpu.memory_space<vmem>>, vector<16xf32>,
        %mul3A_364 = arith.mulf %get3A_363, %bitcast3A_349 : vector<16xf32>
        %swap3A_365 = arith.index_cast %add3A_353 : i32 to index
        %swap3A_366 = arith.constant 96 : index
        %swap3A_367 = tpu.vector_load %arg17[%swap3A_365, %swap3A_366] {strides = array<i32>} : memref<64x128xf32, #tpu.memory_space<vmem>>, vector<16xf32>,
        tpu.vector_store %arg17[%swap3A_365, %swap3A_366], %mul3A_364 {strides = array<i32>} : memref<64x128xf32, #tpu.memory_space<vmem>>, vector<16xf32>,
        %add3A_368 = arith.constant 0 : i32
        %add3A_369 = arith.addi %add3A_282, %add3A_368 : i32
        %get3A_370 = arith.index_cast %add3A_369 : i32 to index
        %get3A_371 = arith.constant 48 : index
        %get3A_372 = tpu.vector_load %arg14[%get3A_370, %get3A_371] {strides = array<i32>} : memref<64x64xi32, #tpu.memory_space<vmem>>, vector<16xi32>,
        %shift_left3A_373 = arith.constant 16 : i32
        %shift_left3A_374 = vector.broadcast %shift_left3A_373 : i32 to vector<16xi32>
        %shift_left3A_375 = arith.shli %get3A_372, %shift_left3A_374 : vector<16xi32>
        %bitcast3A_376 = vector.bitcast %shift_left3A_375 : vector<16xi32> to vector<16xf32>
        %and3A_377 = vector.broadcast %scan3A : i32 to vector<16xi32>
        %and3A_378 = arith.andi %get3A_372, %and3A_377 : vector<16xi32>
        %bitcast3A_379 = vector.bitcast %and3A_378 : vector<16xi32> to vector<16xf32>
        %add3A_380 = arith.constant 0 : i32
        %add3A_381 = arith.addi %add3A_282, %add3A_380 : i32
        %add3A_382 = arith.constant 0 : i32
        %add3A_383 = arith.addi %add3A_282, %add3A_382 : i32
        %get3A_384 = arith.index_cast %add3A_381 : i32 to index
        %get3A_385 = arith.constant 48 : index
        %get3A_386 = tpu.vector_load %arg17[%get3A_384, %get3A_385] {strides = array<i32>} : memref<64x128xf32, #tpu.memory_space<vmem>>, vector<16xf32>,
        %mul3A_387 = arith.mulf %get3A_386, %bitcast3A_376 : vector<16xf32>
        %swap3A_388 = arith.index_cast %add3A_381 : i32 to index
        %swap3A_389 = arith.constant 48 : index
        %swap3A_390 = tpu.vector_load %arg17[%swap3A_388, %swap3A_389] {strides = array<i32>} : memref<64x128xf32, #tpu.memory_space<vmem>>, vector<16xf32>,
        tpu.vector_store %arg17[%swap3A_388, %swap3A_389], %mul3A_387 {strides = array<i32>} : memref<64x128xf32, #tpu.memory_space<vmem>>, vector<16xf32>,
        %get3A_391 = arith.index_cast %add3A_383 : i32 to index
        %get3A_392 = arith.constant 112 : index
        %get3A_393 = tpu.vector_load %arg17[%get3A_391, %get3A_392] {strides = array<i32>} : memref<64x128xf32, #tpu.memory_space<vmem>>, vector<16xf32>,
        %mul3A_394 = arith.mulf %get3A_393, %bitcast3A_379 : vector<16xf32>
        %swap3A_395 = arith.index_cast %add3A_383 : i32 to index
        %swap3A_396 = arith.constant 112 : index
        %swap3A_397 = tpu.vector_load %arg17[%swap3A_395, %swap3A_396] {strides = array<i32>} : memref<64x128xf32, #tpu.memory_space<vmem>>, vector<16xf32>,
        tpu.vector_store %arg17[%swap3A_395, %swap3A_396], %mul3A_394 {strides = array<i32>} : memref<64x128xf32, #tpu.memory_space<vmem>>, vector<16xf32>,
        %add3A_398 = arith.constant 1 : i32
        %add3A_399 = arith.addi %add3A_282, %add3A_398 : i32
        %get3A_400 = arith.index_cast %add3A_399 : i32 to index
        %get3A_401 = arith.constant 0 : index
        %get3A_402 = tpu.vector_load %arg14[%get3A_400, %get3A_401] {strides = array<i32>} : memref<64x64xi32, #tpu.memory_space<vmem>>, vector<16xi32>,
        %shift_left3A_403 = arith.constant 16 : i32
        %shift_left3A_404 = vector.broadcast %shift_left3A_403 : i32 to vector<16xi32>
        %shift_left3A_405 = arith.shli %get3A_402, %shift_left3A_404 : vector<16xi32>
        %bitcast3A_406 = vector.bitcast %shift_left3A_405 : vector<16xi32> to vector<16xf32>
        %and3A_407 = vector.broadcast %scan3A : i32 to vector<16xi32>
        %and3A_408 = arith.andi %get3A_402, %and3A_407 : vector<16xi32>
        %bitcast3A_409 = vector.bitcast %and3A_408 : vector<16xi32> to vector<16xf32>
        %add3A_410 = arith.constant 1 : i32
        %add3A_411 = arith.addi %add3A_282, %add3A_410 : i32
        %add3A_412 = arith.constant 1 : i32
        %add3A_413 = arith.addi %add3A_282, %add3A_412 : i32
        %get3A_414 = arith.index_cast %add3A_411 : i32 to index
        %get3A_415 = arith.constant 0 : index
        %get3A_416 = tpu.vector_load %arg17[%get3A_414, %get3A_415] {strides = array<i32>} : memref<64x128xf32, #tpu.memory_space<vmem>>, vector<16xf32>,
        %mul3A_417 = arith.mulf %get3A_416, %bitcast3A_406 : vector<16xf32>
        %swap3A_418 = arith.index_cast %add3A_411 : i32 to index
        %swap3A_419 = arith.constant 0 : index
        %swap3A_420 = tpu.vector_load %arg17[%swap3A_418, %swap3A_419] {strides = array<i32>} : memref<64x128xf32, #tpu.memory_space<vmem>>, vector<16xf32>,
        tpu.vector_store %arg17[%swap3A_418, %swap3A_419], %mul3A_417 {strides = array<i32>} : memref<64x128xf32, #tpu.memory_space<vmem>>, vector<16xf32>,
        %get3A_421 = arith.index_cast %add3A_413 : i32 to index
        %get3A_422 = arith.constant 64 : index
        %get3A_423 = tpu.vector_load %arg17[%get3A_421, %get3A_422] {strides = array<i32>} : memref<64x128xf32, #tpu.memory_space<vmem>>, vector<16xf32>,
        %mul3A_424 = arith.mulf %get3A_423, %bitcast3A_409 : vector<16xf32>
        %swap3A_425 = arith.index_cast %add3A_413 : i32 to index
        %swap3A_426 = arith.constant 64 : index
        %swap3A_427 = tpu.vector_load %arg17[%swap3A_425, %swap3A_426] {strides = array<i32>} : memref<64x128xf32, #tpu.memory_space<vmem>>, vector<16xf32>,
        tpu.vector_store %arg17[%swap3A_425, %swap3A_426], %mul3A_424 {strides = array<i32>} : memref<64x128xf32, #tpu.memory_space<vmem>>, vector<16xf32>,
        %add3A_428 = arith.constant 1 : i32
        %add3A_429 = arith.addi %add3A_282, %add3A_428 : i32
        %get3A_430 = arith.index_cast %add3A_429 : i32 to index
        %get3A_431 = arith.constant 16 : index
        %get3A_432 = tpu.vector_load %arg14[%get3A_430, %get3A_431] {strides = array<i32>} : memref<64x64xi32, #tpu.memory_space<vmem>>, vector<16xi32>,
        %shift_left3A_433 = arith.constant 16 : i32
        %shift_left3A_434 = vector.broadcast %shift_left3A_433 : i32 to vector<16xi32>
        %shift_left3A_435 = arith.shli %get3A_432, %shift_left3A_434 : vector<16xi32>
        %bitcast3A_436 = vector.bitcast %shift_left3A_435 : vector<16xi32> to vector<16xf32>
        %and3A_437 = vector.broadcast %scan3A : i32 to vector<16xi32>
        %and3A_438 = arith.andi %get3A_432, %and3A_437 : vector<16xi32>
        %bitcast3A_439 = vector.bitcast %and3A_438 : vector<16xi32> to vector<16xf32>
        %add3A_440 = arith.constant 1 : i32
        %add3A_441 = arith.addi %add3A_282, %add3A_440 : i32
        %add3A_442 = arith.constant 1 : i32
        %add3A_443 = arith.addi %add3A_282, %add3A_442 : i32
        %get3A_444 = arith.index_cast %add3A_441 : i32 to index
        %get3A_445 = arith.constant 16 : index
        %get3A_446 = tpu.vector_load %arg17[%get3A_444, %get3A_445] {strides = array<i32>} : memref<64x128xf32, #tpu.memory_space<vmem>>, vector<16xf32>,
        %mul3A_447 = arith.mulf %get3A_446, %bitcast3A_436 : vector<16xf32>
        %swap3A_448 = arith.index_cast %add3A_441 : i32 to index
        %swap3A_449 = arith.constant 16 : index
        %swap3A_450 = tpu.vector_load %arg17[%swap3A_448, %swap3A_449] {strides = array<i32>} : memref<64x128xf32, #tpu.memory_space<vmem>>, vector<16xf32>,
        tpu.vector_store %arg17[%swap3A_448, %swap3A_449], %mul3A_447 {strides = array<i32>} : memref<64x128xf32, #tpu.memory_space<vmem>>, vector<16xf32>,
        %get3A_451 = arith.index_cast %add3A_443 : i32 to index
        %get3A_452 = arith.constant 80 : index
        %get3A_453 = tpu.vector_load %arg17[%get3A_451, %get3A_452] {strides = array<i32>} : memref<64x128xf32, #tpu.memory_space<vmem>>, vector<16xf32>,
        %mul3A_454 = arith.mulf %get3A_453, %bitcast3A_439 : vector<16xf32>
        %swap3A_455 = arith.index_cast %add3A_443 : i32 to index
        %swap3A_456 = arith.constant 80 : index
        %swap3A_457 = tpu.vector_load %arg17[%swap3A_455, %swap3A_456] {strides = array<i32>} : memref<64x128xf32, #tpu.memory_space<vmem>>, vector<16xf32>,
        tpu.vector_store %arg17[%swap3A_455, %swap3A_456], %mul3A_454 {strides = array<i32>} : memref<64x128xf32, #tpu.memory_space<vmem>>, vector<16xf32>,
        %add3A_458 = arith.constant 1 : i32
        %add3A_459 = arith.addi %add3A_282, %add3A_458 : i32
        %get3A_460 = arith.index_cast %add3A_459 : i32 to index
        %get3A_461 = arith.constant 32 : index
        %get3A_462 = tpu.vector_load %arg14[%get3A_460, %get3A_461] {strides = array<i32>} : memref<64x64xi32, #tpu.memory_space<vmem>>, vector<16xi32>,
        %shift_left3A_463 = arith.constant 16 : i32
        %shift_left3A_464 = vector.broadcast %shift_left3A_463 : i32 to vector<16xi32>
        %shift_left3A_465 = arith.shli %get3A_462, %shift_left3A_464 : vector<16xi32>
        %bitcast3A_466 = vector.bitcast %shift_left3A_465 : vector<16xi32> to vector<16xf32>
        %and3A_467 = vector.broadcast %scan3A : i32 to vector<16xi32>
        %and3A_468 = arith.andi %get3A_462, %and3A_467 : vector<16xi32>
        %bitcast3A_469 = vector.bitcast %and3A_468 : vector<16xi32> to vector<16xf32>
        %add3A_470 = arith.constant 1 : i32
        %add3A_471 = arith.addi %add3A_282, %add3A_470 : i32
        %add3A_472 = arith.constant 1 : i32
        %add3A_473 = arith.addi %add3A_282, %add3A_472 : i32
        %get3A_474 = arith.index_cast %add3A_471 : i32 to index
        %get3A_475 = arith.constant 32 : index
        %get3A_476 = tpu.vector_load %arg17[%get3A_474, %get3A_475] {strides = array<i32>} : memref<64x128xf32, #tpu.memory_space<vmem>>, vector<16xf32>,
        %mul3A_477 = arith.mulf %get3A_476, %bitcast3A_466 : vector<16xf32>
        %swap3A_478 = arith.index_cast %add3A_471 : i32 to index
        %swap3A_479 = arith.constant 32 : index
        %swap3A_480 = tpu.vector_load %arg17[%swap3A_478, %swap3A_479] {strides = array<i32>} : memref<64x128xf32, #tpu.memory_space<vmem>>, vector<16xf32>,
        tpu.vector_store %arg17[%swap3A_478, %swap3A_479], %mul3A_477 {strides = array<i32>} : memref<64x128xf32, #tpu.memory_space<vmem>>, vector<16xf32>,
        %get3A_481 = arith.index_cast %add3A_473 : i32 to index
        %get3A_482 = arith.constant 96 : index
        %get3A_483 = tpu.vector_load %arg17[%get3A_481, %get3A_482] {strides = array<i32>} : memref<64x128xf32, #tpu.memory_space<vmem>>, vector<16xf32>,
        %mul3A_484 = arith.mulf %get3A_483, %bitcast3A_469 : vector<16xf32>
        %swap3A_485 = arith.index_cast %add3A_473 : i32 to index
        %swap3A_486 = arith.constant 96 : index
        %swap3A_487 = tpu.vector_load %arg17[%swap3A_485, %swap3A_486] {strides = array<i32>} : memref<64x128xf32, #tpu.memory_space<vmem>>, vector<16xf32>,
        tpu.vector_store %arg17[%swap3A_485, %swap3A_486], %mul3A_484 {strides = array<i32>} : memref<64x128xf32, #tpu.memory_space<vmem>>, vector<16xf32>,
        %add3A_488 = arith.constant 1 : i32
        %add3A_489 = arith.addi %add3A_282, %add3A_488 : i32
        %get3A_490 = arith.index_cast %add3A_489 : i32 to index
        %get3A_491 = arith.constant 48 : index
        %get3A_492 = tpu.vector_load %arg14[%get3A_490, %get3A_491] {strides = array<i32>} : memref<64x64xi32, #tpu.memory_space<vmem>>, vector<16xi32>,
        %shift_left3A_493 = arith.constant 16 : i32
        %shift_left3A_494 = vector.broadcast %shift_left3A_493 : i32 to vector<16xi32>
        %shift_left3A_495 = arith.shli %get3A_492, %shift_left3A_494 : vector<16xi32>
        %bitcast3A_496 = vector.bitcast %shift_left3A_495 : vector<16xi32> to vector<16xf32>
        %and3A_497 = vector.broadcast %scan3A : i32 to vector<16xi32>
        %and3A_498 = arith.andi %get3A_492, %and3A_497 : vector<16xi32>
        %bitcast3A_499 = vector.bitcast %and3A_498 : vector<16xi32> to vector<16xf32>
        %add3A_500 = arith.constant 1 : i32
        %add3A_501 = arith.addi %add3A_282, %add3A_500 : i32
        %add3A_502 = arith.constant 1 : i32
        %add3A_503 = arith.addi %add3A_282, %add3A_502 : i32
        %get3A_504 = arith.index_cast %add3A_501 : i32 to index
        %get3A_505 = arith.constant 48 : index
        %get3A_506 = tpu.vector_load %arg17[%get3A_504, %get3A_505] {strides = array<i32>} : memref<64x128xf32, #tpu.memory_space<vmem>>, vector<16xf32>,
        %mul3A_507 = arith.mulf %get3A_506, %bitcast3A_496 : vector<16xf32>
        %swap3A_508 = arith.index_cast %add3A_501 : i32 to index
        %swap3A_509 = arith.constant 48 : index
        %swap3A_510 = tpu.vector_load %arg17[%swap3A_508, %swap3A_509] {strides = array<i32>} : memref<64x128xf32, #tpu.memory_space<vmem>>, vector<16xf32>,
        tpu.vector_store %arg17[%swap3A_508, %swap3A_509], %mul3A_507 {strides = array<i32>} : memref<64x128xf32, #tpu.memory_space<vmem>>, vector<16xf32>,
        %get3A_511 = arith.index_cast %add3A_503 : i32 to index
        %get3A_512 = arith.constant 112 : index
        %get3A_513 = tpu.vector_load %arg17[%get3A_511, %get3A_512] {strides = array<i32>} : memref<64x128xf32, #tpu.memory_space<vmem>>, vector<16xf32>,
        %mul3A_514 = arith.mulf %get3A_513, %bitcast3A_499 : vector<16xf32>
        %swap3A_515 = arith.index_cast %add3A_503 : i32 to index
        %swap3A_516 = arith.constant 112 : index
        %swap3A_517 = tpu.vector_load %arg17[%swap3A_515, %swap3A_516] {strides = array<i32>} : memref<64x128xf32, #tpu.memory_space<vmem>>, vector<16xf32>,
        tpu.vector_store %arg17[%swap3A_515, %swap3A_516], %mul3A_514 {strides = array<i32>} : memref<64x128xf32, #tpu.memory_space<vmem>>, vector<16xf32>,
      }
      %scan3A_151 = arith.constant 32 : i32
      "tpu.region"() ({
        %run_scoped3A = tpu.sem_alloc : memref<!tpu.dma_semaphore, #tpu.memory_space<semaphore_mem>>
        %dma_start3A_278 = arith.constant 0 : i32
        %dma_start3A_279 = arith.constant 0 : i32
        %dma_start3A_280 = tpu.memref_slice %arg20[%dma_start3A_278, %dma_start3A_279] : memref<10000x128xf32, #tpu.memory_space<vmem_shared>> -> memref<10000x128xf32, #tpu.memory_space<vmem_shared>>
        tpu.enqueue_indirect_dma source(%arg17 : memref<64x128xf32, #tpu.memory_space<vmem>>) target(%dma_start3A_280 : memref<10000x128xf32, #tpu.memory_space<vmem_shared>>) offsets(%arg8 : memref<64xi32, #tpu.memory_space<vmem>>) semaphore(%run_scoped3A : memref<!tpu.dma_semaphore, #tpu.memory_space<semaphore_mem>>) {add = true}
        %dma_wait3A_281 = arith.constant 0 : i32
        %dma_wait3A_282 = arith.constant 0 : i32
        %dma_wait3A_283 = tpu.memref_slice %arg20[%dma_wait3A_281, %dma_wait3A_282] : memref<10000x128xf32, #tpu.memory_space<vmem_shared>> -> memref<10000x128xf32, #tpu.memory_space<vmem_shared>>
        tpu.wait_indirect_dma semaphore(%run_scoped3A : memref<!tpu.dma_semaphore, #tpu.memory_space<semaphore_mem>>) src(%arg17 : memref<64x128xf32, #tpu.memory_space<vmem>>) dst(%dma_wait3A_283 : memref<10000x128xf32, #tpu.memory_space<vmem_shared>>)
        tpu.yield
      }) : () -> ()
      %add3A_152 = arith.constant 1 : i32
      %add3A_153 = arith.addi %add3A_88, %add3A_152 : i32
      %add3A_154 = arith.constant 1 : i32
      %add3A_155 = arith.addi %add3A_153, %add3A_154 : i32
      %mul3A_156 = arith.constant 32 : i32
      %mul3A_157 = arith.muli %add3A_155, %mul3A_156 : i32
      %add3A_158 = arith.addi %add3A, %mul3A_157 : i32
      %min3A_159 = arith.constant 4999 : i32
      %min3A_160 = arith.minsi %add3A_158, %min3A_159 : i32
      %mul3A_161 = arith.constant 64 : i32
      %mul3A_162 = arith.muli %min3A_160, %mul3A_161 : i32
      %dma_wait3A_163 = tpu.memref_slice %arg3[%mul3A_162] : memref<320000xi32, #tpu.memory_space<hbm>> -> memref<64xi32, #tpu.memory_space<hbm>>
      %dma_wait3A_164 = tpu.memref_slice %arg3[%mul3A_162] : memref<320000xi32, #tpu.memory_space<hbm>> -> memref<64xi32, #tpu.memory_space<hbm>>
      tpu.wait_dma2 semaphore(%arg23 : memref<!tpu.dma_semaphore, #tpu.memory_space<semaphore_mem>>) src(%dma_wait3A_164 : memref<64xi32, #tpu.memory_space<hbm>>) dst(%arg10 : memref<64xi32, #tpu.memory_space<vmem>>)
      %dma_wait3A_165 = tpu.memref_slice %arg4[%mul3A_162] : memref<320000xi32, #tpu.memory_space<hbm>> -> memref<64xi32, #tpu.memory_space<hbm>>
      %dma_wait3A_166 = tpu.memref_slice %arg4[%mul3A_162] : memref<320000xi32, #tpu.memory_space<hbm>> -> memref<64xi32, #tpu.memory_space<hbm>>
      tpu.wait_dma2 semaphore(%arg23 : memref<!tpu.dma_semaphore, #tpu.memory_space<semaphore_mem>>) src(%dma_wait3A_166 : memref<64xi32, #tpu.memory_space<hbm>>) dst(%arg13 : memref<64xi32, #tpu.memory_space<vmem>>)
      %add3A_167 = arith.constant 1 : i32
      %add3A_168 = arith.addi %add3A_153, %add3A_167 : i32
      %mul3A_169 = arith.constant 32 : i32
      %mul3A_170 = arith.muli %add3A_168, %mul3A_169 : i32
      %add3A_171 = arith.addi %add3A, %mul3A_170 : i32
      %min3A_172 = arith.constant 4999 : i32
      %min3A_173 = arith.minsi %add3A_171, %min3A_172 : i32
      %mul3A_174 = arith.constant 64 : i32
      %mul3A_175 = arith.muli %min3A_173, %mul3A_174 : i32
      %dma_start3A_176 = arith.constant 0 : i32
      %dma_start3A_177 = tpu.memref_slice %arg2[%mul3A_175, %dma_start3A_176] : memref<320000x64xi32, #tpu.memory_space<hbm>> -> memref<64x64xi32, #tpu.memory_space<hbm>>
      %dma_start3A_178 = arith.constant 0 : i32
      %dma_start3A_179 = tpu.memref_slice %arg2[%mul3A_175, %dma_start3A_178] : memref<320000x64xi32, #tpu.memory_space<hbm>> -> memref<64x64xi32, #tpu.memory_space<hbm>>
      tpu.enqueue_dma source(%dma_start3A_179 : memref<64x64xi32, #tpu.memory_space<hbm>>) target(%arg16 : memref<64x64xi32, #tpu.memory_space<vmem>>) target_semaphore(%arg26 : memref<!tpu.dma_semaphore, #tpu.memory_space<semaphore_mem>>)
      %dma_start3A_180 = arith.constant 0 : i32
      %dma_start3A_181 = arith.constant 0 : i32
      %dma_start3A_182 = tpu.memref_slice %arg5[%dma_start3A_180, %dma_start3A_181] : memref<10000x128xf32, #tpu.memory_space<hbm>> -> memref<10000x128xf32, #tpu.memory_space<hbm>>
      tpu.enqueue_indirect_dma source(%dma_start3A_182 : memref<10000x128xf32, #tpu.memory_space<hbm>>) target(%arg19 : memref<64x128xf32, #tpu.memory_space<vmem>>) offsets(%arg13 : memref<64xi32, #tpu.memory_space<vmem>>) semaphore(%arg26 : memref<!tpu.dma_semaphore, #tpu.memory_space<semaphore_mem>>)
      %add3A_183 = arith.constant 2 : i32
      %add3A_184 = arith.addi %add3A_153, %add3A_183 : i32
      %mul3A_185 = arith.constant 32 : i32
      %mul3A_186 = arith.muli %add3A_184, %mul3A_185 : i32
      %add3A_187 = arith.addi %add3A, %mul3A_186 : i32
      %min3A_188 = arith.constant 4999 : i32
      %min3A_189 = arith.minsi %add3A_187, %min3A_188 : i32
      %mul3A_190 = arith.constant 64 : i32
      %mul3A_191 = arith.muli %min3A_189, %mul3A_190 : i32
      %dma_start3A_192 = tpu.memref_slice %arg3[%mul3A_191] : memref<320000xi32, #tpu.memory_space<hbm>> -> memref<64xi32, #tpu.memory_space<hbm>>
      %dma_start3A_193 = tpu.memref_slice %arg3[%mul3A_191] : memref<320000xi32, #tpu.memory_space<hbm>> -> memref<64xi32, #tpu.memory_space<hbm>>
      tpu.enqueue_dma source(%dma_start3A_193 : memref<64xi32, #tpu.memory_space<hbm>>) target(%arg8 : memref<64xi32, #tpu.memory_space<vmem>>) target_semaphore(%arg21 : memref<!tpu.dma_semaphore, #tpu.memory_space<semaphore_mem>>)
      %dma_start3A_194 = tpu.memref_slice %arg4[%mul3A_191] : memref<320000xi32, #tpu.memory_space<hbm>> -> memref<64xi32, #tpu.memory_space<hbm>>
      %dma_start3A_195 = tpu.memref_slice %arg4[%mul3A_191] : memref<320000xi32, #tpu.memory_space<hbm>> -> memref<64xi32, #tpu.memory_space<hbm>>
      tpu.enqueue_dma source(%dma_start3A_195 : memref<64xi32, #tpu.memory_space<hbm>>) target(%arg11 : memref<64xi32, #tpu.memory_space<vmem>>) target_semaphore(%arg21 : memref<!tpu.dma_semaphore, #tpu.memory_space<semaphore_mem>>)
      %mul3A_196 = arith.constant 32 : i32
      %mul3A_197 = arith.muli %add3A_153, %mul3A_196 : i32
      %add3A_198 = arith.addi %add3A, %mul3A_197 : i32
      %min3A_199 = arith.constant 4999 : i32
      %min3A_200 = arith.minsi %add3A_198, %min3A_199 : i32
      %mul3A_201 = arith.constant 64 : i32
      %mul3A_202 = arith.muli %min3A_200, %mul3A_201 : i32
      %dma_wait3A_203 = arith.constant 0 : i32
      %dma_wait3A_204 = tpu.memref_slice %arg2[%mul3A_202, %dma_wait3A_203] : memref<320000x64xi32, #tpu.memory_space<hbm>> -> memref<64x64xi32, #tpu.memory_space<hbm>>
      %dma_wait3A_205 = arith.constant 0 : i32
      %dma_wait3A_206 = tpu.memref_slice %arg2[%mul3A_202, %dma_wait3A_205] : memref<320000x64xi32, #tpu.memory_space<hbm>> -> memref<64x64xi32, #tpu.memory_space<hbm>>
      tpu.wait_dma2 semaphore(%arg25 : memref<!tpu.dma_semaphore, #tpu.memory_space<semaphore_mem>>) src(%dma_wait3A_206 : memref<64x64xi32, #tpu.memory_space<hbm>>) dst(%arg15 : memref<64x64xi32, #tpu.memory_space<vmem>>)
      %dma_wait3A_207 = arith.constant 0 : i32
      %dma_wait3A_208 = arith.constant 0 : i32
      %dma_wait3A_209 = tpu.memref_slice %arg5[%dma_wait3A_207, %dma_wait3A_208] : memref<10000x128xf32, #tpu.memory_space<hbm>> -> memref<10000x128xf32, #tpu.memory_space<hbm>>
      tpu.wait_indirect_dma semaphore(%arg25 : memref<!tpu.dma_semaphore, #tpu.memory_space<semaphore_mem>>) src(%dma_wait3A_209 : memref<10000x128xf32, #tpu.memory_space<hbm>>) dst(%arg18 : memref<64x128xf32, #tpu.memory_space<vmem>>)
      %scan3A_210 = arith.constant 0 : i32
      %scan3A_211 = arith.constant 32 : i32
      %scan3A_212 = arith.addi %scan3A_210, %scan3A_211 : i32
      %scan3A_213 = arith.constant 1 : i32
      scf.for %scan3A_278 = %scan3A_210 to %scan3A_212 step %scan3A_213  : i32 {
        %mul3A_279 = arith.constant 2 : i32
        %mul3A_280 = arith.muli %scan3A_278, %mul3A_279 : i32
        %add3A_281 = arith.constant 0 : i32
        %add3A_282 = arith.addi %add3A_281, %mul3A_280 : i32
        %add3A_283 = arith.constant 0 : i32
        %add3A_284 = arith.addi %add3A_282, %add3A_283 : i32
        %get3A = arith.index_cast %add3A_284 : i32 to index
        %get3A_285 = arith.constant 0 : index
        %get3A_286 = tpu.vector_load %arg15[%get3A, %get3A_285] {strides = array<i32>} : memref<64x64xi32, #tpu.memory_space<vmem>>, vector<16xi32>,
        %shift_left3A = arith.constant 16 : i32
        %shift_left3A_287 = vector.broadcast %shift_left3A : i32 to vector<16xi32>
        %shift_left3A_288 = arith.shli %get3A_286, %shift_left3A_287 : vector<16xi32>
        %bitcast3A = vector.bitcast %shift_left3A_288 : vector<16xi32> to vector<16xf32>
        %and3A = vector.broadcast %scan3A : i32 to vector<16xi32>
        %and3A_289 = arith.andi %get3A_286, %and3A : vector<16xi32>
        %bitcast3A_290 = vector.bitcast %and3A_289 : vector<16xi32> to vector<16xf32>
        %add3A_291 = arith.constant 0 : i32
        %add3A_292 = arith.addi %add3A_282, %add3A_291 : i32
        %add3A_293 = arith.constant 0 : i32
        %add3A_294 = arith.addi %add3A_282, %add3A_293 : i32
        %get3A_295 = arith.index_cast %add3A_292 : i32 to index
        %get3A_296 = arith.constant 0 : index
        %get3A_297 = tpu.vector_load %arg18[%get3A_295, %get3A_296] {strides = array<i32>} : memref<64x128xf32, #tpu.memory_space<vmem>>, vector<16xf32>,
        %mul3A_298 = arith.mulf %get3A_297, %bitcast3A : vector<16xf32>
        %swap3A = arith.index_cast %add3A_292 : i32 to index
        %swap3A_299 = arith.constant 0 : index
        %swap3A_300 = tpu.vector_load %arg18[%swap3A, %swap3A_299] {strides = array<i32>} : memref<64x128xf32, #tpu.memory_space<vmem>>, vector<16xf32>,
        tpu.vector_store %arg18[%swap3A, %swap3A_299], %mul3A_298 {strides = array<i32>} : memref<64x128xf32, #tpu.memory_space<vmem>>, vector<16xf32>,
        %get3A_301 = arith.index_cast %add3A_294 : i32 to index
        %get3A_302 = arith.constant 64 : index
        %get3A_303 = tpu.vector_load %arg18[%get3A_301, %get3A_302] {strides = array<i32>} : memref<64x128xf32, #tpu.memory_space<vmem>>, vector<16xf32>,
        %mul3A_304 = arith.mulf %get3A_303, %bitcast3A_290 : vector<16xf32>
        %swap3A_305 = arith.index_cast %add3A_294 : i32 to index
        %swap3A_306 = arith.constant 64 : index
        %swap3A_307 = tpu.vector_load %arg18[%swap3A_305, %swap3A_306] {strides = array<i32>} : memref<64x128xf32, #tpu.memory_space<vmem>>, vector<16xf32>,
        tpu.vector_store %arg18[%swap3A_305, %swap3A_306], %mul3A_304 {strides = array<i32>} : memref<64x128xf32, #tpu.memory_space<vmem>>, vector<16xf32>,
        %add3A_308 = arith.constant 0 : i32
        %add3A_309 = arith.addi %add3A_282, %add3A_308 : i32
        %get3A_310 = arith.index_cast %add3A_309 : i32 to index
        %get3A_311 = arith.constant 16 : index
        %get3A_312 = tpu.vector_load %arg15[%get3A_310, %get3A_311] {strides = array<i32>} : memref<64x64xi32, #tpu.memory_space<vmem>>, vector<16xi32>,
        %shift_left3A_313 = arith.constant 16 : i32
        %shift_left3A_314 = vector.broadcast %shift_left3A_313 : i32 to vector<16xi32>
        %shift_left3A_315 = arith.shli %get3A_312, %shift_left3A_314 : vector<16xi32>
        %bitcast3A_316 = vector.bitcast %shift_left3A_315 : vector<16xi32> to vector<16xf32>
        %and3A_317 = vector.broadcast %scan3A : i32 to vector<16xi32>
        %and3A_318 = arith.andi %get3A_312, %and3A_317 : vector<16xi32>
        %bitcast3A_319 = vector.bitcast %and3A_318 : vector<16xi32> to vector<16xf32>
        %add3A_320 = arith.constant 0 : i32
        %add3A_321 = arith.addi %add3A_282, %add3A_320 : i32
        %add3A_322 = arith.constant 0 : i32
        %add3A_323 = arith.addi %add3A_282, %add3A_322 : i32
        %get3A_324 = arith.index_cast %add3A_321 : i32 to index
        %get3A_325 = arith.constant 16 : index
        %get3A_326 = tpu.vector_load %arg18[%get3A_324, %get3A_325] {strides = array<i32>} : memref<64x128xf32, #tpu.memory_space<vmem>>, vector<16xf32>,
        %mul3A_327 = arith.mulf %get3A_326, %bitcast3A_316 : vector<16xf32>
        %swap3A_328 = arith.index_cast %add3A_321 : i32 to index
        %swap3A_329 = arith.constant 16 : index
        %swap3A_330 = tpu.vector_load %arg18[%swap3A_328, %swap3A_329] {strides = array<i32>} : memref<64x128xf32, #tpu.memory_space<vmem>>, vector<16xf32>,
        tpu.vector_store %arg18[%swap3A_328, %swap3A_329], %mul3A_327 {strides = array<i32>} : memref<64x128xf32, #tpu.memory_space<vmem>>, vector<16xf32>,
        %get3A_331 = arith.index_cast %add3A_323 : i32 to index
        %get3A_332 = arith.constant 80 : index
        %get3A_333 = tpu.vector_load %arg18[%get3A_331, %get3A_332] {strides = array<i32>} : memref<64x128xf32, #tpu.memory_space<vmem>>, vector<16xf32>,
        %mul3A_334 = arith.mulf %get3A_333, %bitcast3A_319 : vector<16xf32>
        %swap3A_335 = arith.index_cast %add3A_323 : i32 to index
        %swap3A_336 = arith.constant 80 : index
        %swap3A_337 = tpu.vector_load %arg18[%swap3A_335, %swap3A_336] {strides = array<i32>} : memref<64x128xf32, #tpu.memory_space<vmem>>, vector<16xf32>,
        tpu.vector_store %arg18[%swap3A_335, %swap3A_336], %mul3A_334 {strides = array<i32>} : memref<64x128xf32, #tpu.memory_space<vmem>>, vector<16xf32>,
        %add3A_338 = arith.constant 0 : i32
        %add3A_339 = arith.addi %add3A_282, %add3A_338 : i32
        %get3A_340 = arith.index_cast %add3A_339 : i32 to index
        %get3A_341 = arith.constant 32 : index
        %get3A_342 = tpu.vector_load %arg15[%get3A_340, %get3A_341] {strides = array<i32>} : memref<64x64xi32, #tpu.memory_space<vmem>>, vector<16xi32>,
        %shift_left3A_343 = arith.constant 16 : i32
        %shift_left3A_344 = vector.broadcast %shift_left3A_343 : i32 to vector<16xi32>
        %shift_left3A_345 = arith.shli %get3A_342, %shift_left3A_344 : vector<16xi32>
        %bitcast3A_346 = vector.bitcast %shift_left3A_345 : vector<16xi32> to vector<16xf32>
        %and3A_347 = vector.broadcast %scan3A : i32 to vector<16xi32>
        %and3A_348 = arith.andi %get3A_342, %and3A_347 : vector<16xi32>
        %bitcast3A_349 = vector.bitcast %and3A_348 : vector<16xi32> to vector<16xf32>
        %add3A_350 = arith.constant 0 : i32
        %add3A_351 = arith.addi %add3A_282, %add3A_350 : i32
        %add3A_352 = arith.constant 0 : i32
        %add3A_353 = arith.addi %add3A_282, %add3A_352 : i32
        %get3A_354 = arith.index_cast %add3A_351 : i32 to index
        %get3A_355 = arith.constant 32 : index
        %get3A_356 = tpu.vector_load %arg18[%get3A_354, %get3A_355] {strides = array<i32>} : memref<64x128xf32, #tpu.memory_space<vmem>>, vector<16xf32>,
        %mul3A_357 = arith.mulf %get3A_356, %bitcast3A_346 : vector<16xf32>
        %swap3A_358 = arith.index_cast %add3A_351 : i32 to index
        %swap3A_359 = arith.constant 32 : index
        %swap3A_360 = tpu.vector_load %arg18[%swap3A_358, %swap3A_359] {strides = array<i32>} : memref<64x128xf32, #tpu.memory_space<vmem>>, vector<16xf32>,
        tpu.vector_store %arg18[%swap3A_358, %swap3A_359], %mul3A_357 {strides = array<i32>} : memref<64x128xf32, #tpu.memory_space<vmem>>, vector<16xf32>,
        %get3A_361 = arith.index_cast %add3A_353 : i32 to index
        %get3A_362 = arith.constant 96 : index
        %get3A_363 = tpu.vector_load %arg18[%get3A_361, %get3A_362] {strides = array<i32>} : memref<64x128xf32, #tpu.memory_space<vmem>>, vector<16xf32>,
        %mul3A_364 = arith.mulf %get3A_363, %bitcast3A_349 : vector<16xf32>
        %swap3A_365 = arith.index_cast %add3A_353 : i32 to index
        %swap3A_366 = arith.constant 96 : index
        %swap3A_367 = tpu.vector_load %arg18[%swap3A_365, %swap3A_366] {strides = array<i32>} : memref<64x128xf32, #tpu.memory_space<vmem>>, vector<16xf32>,
        tpu.vector_store %arg18[%swap3A_365, %swap3A_366], %mul3A_364 {strides = array<i32>} : memref<64x128xf32, #tpu.memory_space<vmem>>, vector<16xf32>,
        %add3A_368 = arith.constant 0 : i32
        %add3A_369 = arith.addi %add3A_282, %add3A_368 : i32
        %get3A_370 = arith.index_cast %add3A_369 : i32 to index
        %get3A_371 = arith.constant 48 : index
        %get3A_372 = tpu.vector_load %arg15[%get3A_370, %get3A_371] {strides = array<i32>} : memref<64x64xi32, #tpu.memory_space<vmem>>, vector<16xi32>,
        %shift_left3A_373 = arith.constant 16 : i32
        %shift_left3A_374 = vector.broadcast %shift_left3A_373 : i32 to vector<16xi32>
        %shift_left3A_375 = arith.shli %get3A_372, %shift_left3A_374 : vector<16xi32>
        %bitcast3A_376 = vector.bitcast %shift_left3A_375 : vector<16xi32> to vector<16xf32>
        %and3A_377 = vector.broadcast %scan3A : i32 to vector<16xi32>
        %and3A_378 = arith.andi %get3A_372, %and3A_377 : vector<16xi32>
        %bitcast3A_379 = vector.bitcast %and3A_378 : vector<16xi32> to vector<16xf32>
        %add3A_380 = arith.constant 0 : i32
        %add3A_381 = arith.addi %add3A_282, %add3A_380 : i32
        %add3A_382 = arith.constant 0 : i32
        %add3A_383 = arith.addi %add3A_282, %add3A_382 : i32
        %get3A_384 = arith.index_cast %add3A_381 : i32 to index
        %get3A_385 = arith.constant 48 : index
        %get3A_386 = tpu.vector_load %arg18[%get3A_384, %get3A_385] {strides = array<i32>} : memref<64x128xf32, #tpu.memory_space<vmem>>, vector<16xf32>,
        %mul3A_387 = arith.mulf %get3A_386, %bitcast3A_376 : vector<16xf32>
        %swap3A_388 = arith.index_cast %add3A_381 : i32 to index
        %swap3A_389 = arith.constant 48 : index
        %swap3A_390 = tpu.vector_load %arg18[%swap3A_388, %swap3A_389] {strides = array<i32>} : memref<64x128xf32, #tpu.memory_space<vmem>>, vector<16xf32>,
        tpu.vector_store %arg18[%swap3A_388, %swap3A_389], %mul3A_387 {strides = array<i32>} : memref<64x128xf32, #tpu.memory_space<vmem>>, vector<16xf32>,
        %get3A_391 = arith.index_cast %add3A_383 : i32 to index
        %get3A_392 = arith.constant 112 : index
        %get3A_393 = tpu.vector_load %arg18[%get3A_391, %get3A_392] {strides = array<i32>} : memref<64x128xf32, #tpu.memory_space<vmem>>, vector<16xf32>,
        %mul3A_394 = arith.mulf %get3A_393, %bitcast3A_379 : vector<16xf32>
        %swap3A_395 = arith.index_cast %add3A_383 : i32 to index
        %swap3A_396 = arith.constant 112 : index
        %swap3A_397 = tpu.vector_load %arg18[%swap3A_395, %swap3A_396] {strides = array<i32>} : memref<64x128xf32, #tpu.memory_space<vmem>>, vector<16xf32>,
        tpu.vector_store %arg18[%swap3A_395, %swap3A_396], %mul3A_394 {strides = array<i32>} : memref<64x128xf32, #tpu.memory_space<vmem>>, vector<16xf32>,
        %add3A_398 = arith.constant 1 : i32
        %add3A_399 = arith.addi %add3A_282, %add3A_398 : i32
        %get3A_400 = arith.index_cast %add3A_399 : i32 to index
        %get3A_401 = arith.constant 0 : index
        %get3A_402 = tpu.vector_load %arg15[%get3A_400, %get3A_401] {strides = array<i32>} : memref<64x64xi32, #tpu.memory_space<vmem>>, vector<16xi32>,
        %shift_left3A_403 = arith.constant 16 : i32
        %shift_left3A_404 = vector.broadcast %shift_left3A_403 : i32 to vector<16xi32>
        %shift_left3A_405 = arith.shli %get3A_402, %shift_left3A_404 : vector<16xi32>
        %bitcast3A_406 = vector.bitcast %shift_left3A_405 : vector<16xi32> to vector<16xf32>
        %and3A_407 = vector.broadcast %scan3A : i32 to vector<16xi32>
        %and3A_408 = arith.andi %get3A_402, %and3A_407 : vector<16xi32>
        %bitcast3A_409 = vector.bitcast %and3A_408 : vector<16xi32> to vector<16xf32>
        %add3A_410 = arith.constant 1 : i32
        %add3A_411 = arith.addi %add3A_282, %add3A_410 : i32
        %add3A_412 = arith.constant 1 : i32
        %add3A_413 = arith.addi %add3A_282, %add3A_412 : i32
        %get3A_414 = arith.index_cast %add3A_411 : i32 to index
        %get3A_415 = arith.constant 0 : index
        %get3A_416 = tpu.vector_load %arg18[%get3A_414, %get3A_415] {strides = array<i32>} : memref<64x128xf32, #tpu.memory_space<vmem>>, vector<16xf32>,
        %mul3A_417 = arith.mulf %get3A_416, %bitcast3A_406 : vector<16xf32>
        %swap3A_418 = arith.index_cast %add3A_411 : i32 to index
        %swap3A_419 = arith.constant 0 : index
        %swap3A_420 = tpu.vector_load %arg18[%swap3A_418, %swap3A_419] {strides = array<i32>} : memref<64x128xf32, #tpu.memory_space<vmem>>, vector<16xf32>,
        tpu.vector_store %arg18[%swap3A_418, %swap3A_419], %mul3A_417 {strides = array<i32>} : memref<64x128xf32, #tpu.memory_space<vmem>>, vector<16xf32>,
        %get3A_421 = arith.index_cast %add3A_413 : i32 to index
        %get3A_422 = arith.constant 64 : index
        %get3A_423 = tpu.vector_load %arg18[%get3A_421, %get3A_422] {strides = array<i32>} : memref<64x128xf32, #tpu.memory_space<vmem>>, vector<16xf32>,
        %mul3A_424 = arith.mulf %get3A_423, %bitcast3A_409 : vector<16xf32>
        %swap3A_425 = arith.index_cast %add3A_413 : i32 to index
        %swap3A_426 = arith.constant 64 : index
        %swap3A_427 = tpu.vector_load %arg18[%swap3A_425, %swap3A_426] {strides = array<i32>} : memref<64x128xf32, #tpu.memory_space<vmem>>, vector<16xf32>,
        tpu.vector_store %arg18[%swap3A_425, %swap3A_426], %mul3A_424 {strides = array<i32>} : memref<64x128xf32, #tpu.memory_space<vmem>>, vector<16xf32>,
        %add3A_428 = arith.constant 1 : i32
        %add3A_429 = arith.addi %add3A_282, %add3A_428 : i32
        %get3A_430 = arith.index_cast %add3A_429 : i32 to index
        %get3A_431 = arith.constant 16 : index
        %get3A_432 = tpu.vector_load %arg15[%get3A_430, %get3A_431] {strides = array<i32>} : memref<64x64xi32, #tpu.memory_space<vmem>>, vector<16xi32>,
        %shift_left3A_433 = arith.constant 16 : i32
        %shift_left3A_434 = vector.broadcast %shift_left3A_433 : i32 to vector<16xi32>
        %shift_left3A_435 = arith.shli %get3A_432, %shift_left3A_434 : vector<16xi32>
        %bitcast3A_436 = vector.bitcast %shift_left3A_435 : vector<16xi32> to vector<16xf32>
        %and3A_437 = vector.broadcast %scan3A : i32 to vector<16xi32>
        %and3A_438 = arith.andi %get3A_432, %and3A_437 : vector<16xi32>
        %bitcast3A_439 = vector.bitcast %and3A_438 : vector<16xi32> to vector<16xf32>
        %add3A_440 = arith.constant 1 : i32
        %add3A_441 = arith.addi %add3A_282, %add3A_440 : i32
        %add3A_442 = arith.constant 1 : i32
        %add3A_443 = arith.addi %add3A_282, %add3A_442 : i32
        %get3A_444 = arith.index_cast %add3A_441 : i32 to index
        %get3A_445 = arith.constant 16 : index
        %get3A_446 = tpu.vector_load %arg18[%get3A_444, %get3A_445] {strides = array<i32>} : memref<64x128xf32, #tpu.memory_space<vmem>>, vector<16xf32>,
        %mul3A_447 = arith.mulf %get3A_446, %bitcast3A_436 : vector<16xf32>
        %swap3A_448 = arith.index_cast %add3A_441 : i32 to index
        %swap3A_449 = arith.constant 16 : index
        %swap3A_450 = tpu.vector_load %arg18[%swap3A_448, %swap3A_449] {strides = array<i32>} : memref<64x128xf32, #tpu.memory_space<vmem>>, vector<16xf32>,
        tpu.vector_store %arg18[%swap3A_448, %swap3A_449], %mul3A_447 {strides = array<i32>} : memref<64x128xf32, #tpu.memory_space<vmem>>, vector<16xf32>,
        %get3A_451 = arith.index_cast %add3A_443 : i32 to index
        %get3A_452 = arith.constant 80 : index
        %get3A_453 = tpu.vector_load %arg18[%get3A_451, %get3A_452] {strides = array<i32>} : memref<64x128xf32, #tpu.memory_space<vmem>>, vector<16xf32>,
        %mul3A_454 = arith.mulf %get3A_453, %bitcast3A_439 : vector<16xf32>
        %swap3A_455 = arith.index_cast %add3A_443 : i32 to index
        %swap3A_456 = arith.constant 80 : index
        %swap3A_457 = tpu.vector_load %arg18[%swap3A_455, %swap3A_456] {strides = array<i32>} : memref<64x128xf32, #tpu.memory_space<vmem>>, vector<16xf32>,
        tpu.vector_store %arg18[%swap3A_455, %swap3A_456], %mul3A_454 {strides = array<i32>} : memref<64x128xf32, #tpu.memory_space<vmem>>, vector<16xf32>,
        %add3A_458 = arith.constant 1 : i32
        %add3A_459 = arith.addi %add3A_282, %add3A_458 : i32
        %get3A_460 = arith.index_cast %add3A_459 : i32 to index
        %get3A_461 = arith.constant 32 : index
        %get3A_462 = tpu.vector_load %arg15[%get3A_460, %get3A_461] {strides = array<i32>} : memref<64x64xi32, #tpu.memory_space<vmem>>, vector<16xi32>,
        %shift_left3A_463 = arith.constant 16 : i32
        %shift_left3A_464 = vector.broadcast %shift_left3A_463 : i32 to vector<16xi32>
        %shift_left3A_465 = arith.shli %get3A_462, %shift_left3A_464 : vector<16xi32>
        %bitcast3A_466 = vector.bitcast %shift_left3A_465 : vector<16xi32> to vector<16xf32>
        %and3A_467 = vector.broadcast %scan3A : i32 to vector<16xi32>
        %and3A_468 = arith.andi %get3A_462, %and3A_467 : vector<16xi32>
        %bitcast3A_469 = vector.bitcast %and3A_468 : vector<16xi32> to vector<16xf32>
        %add3A_470 = arith.constant 1 : i32
        %add3A_471 = arith.addi %add3A_282, %add3A_470 : i32
        %add3A_472 = arith.constant 1 : i32
        %add3A_473 = arith.addi %add3A_282, %add3A_472 : i32
        %get3A_474 = arith.index_cast %add3A_471 : i32 to index
        %get3A_475 = arith.constant 32 : index
        %get3A_476 = tpu.vector_load %arg18[%get3A_474, %get3A_475] {strides = array<i32>} : memref<64x128xf32, #tpu.memory_space<vmem>>, vector<16xf32>,
        %mul3A_477 = arith.mulf %get3A_476, %bitcast3A_466 : vector<16xf32>
        %swap3A_478 = arith.index_cast %add3A_471 : i32 to index
        %swap3A_479 = arith.constant 32 : index
        %swap3A_480 = tpu.vector_load %arg18[%swap3A_478, %swap3A_479] {strides = array<i32>} : memref<64x128xf32, #tpu.memory_space<vmem>>, vector<16xf32>,
        tpu.vector_store %arg18[%swap3A_478, %swap3A_479], %mul3A_477 {strides = array<i32>} : memref<64x128xf32, #tpu.memory_space<vmem>>, vector<16xf32>,
        %get3A_481 = arith.index_cast %add3A_473 : i32 to index
        %get3A_482 = arith.constant 96 : index
        %get3A_483 = tpu.vector_load %arg18[%get3A_481, %get3A_482] {strides = array<i32>} : memref<64x128xf32, #tpu.memory_space<vmem>>, vector<16xf32>,
        %mul3A_484 = arith.mulf %get3A_483, %bitcast3A_469 : vector<16xf32>
        %swap3A_485 = arith.index_cast %add3A_473 : i32 to index
        %swap3A_486 = arith.constant 96 : index
        %swap3A_487 = tpu.vector_load %arg18[%swap3A_485, %swap3A_486] {strides = array<i32>} : memref<64x128xf32, #tpu.memory_space<vmem>>, vector<16xf32>,
        tpu.vector_store %arg18[%swap3A_485, %swap3A_486], %mul3A_484 {strides = array<i32>} : memref<64x128xf32, #tpu.memory_space<vmem>>, vector<16xf32>,
        %add3A_488 = arith.constant 1 : i32
        %add3A_489 = arith.addi %add3A_282, %add3A_488 : i32
        %get3A_490 = arith.index_cast %add3A_489 : i32 to index
        %get3A_491 = arith.constant 48 : index
        %get3A_492 = tpu.vector_load %arg15[%get3A_490, %get3A_491] {strides = array<i32>} : memref<64x64xi32, #tpu.memory_space<vmem>>, vector<16xi32>,
        %shift_left3A_493 = arith.constant 16 : i32
        %shift_left3A_494 = vector.broadcast %shift_left3A_493 : i32 to vector<16xi32>
        %shift_left3A_495 = arith.shli %get3A_492, %shift_left3A_494 : vector<16xi32>
        %bitcast3A_496 = vector.bitcast %shift_left3A_495 : vector<16xi32> to vector<16xf32>
        %and3A_497 = vector.broadcast %scan3A : i32 to vector<16xi32>
        %and3A_498 = arith.andi %get3A_492, %and3A_497 : vector<16xi32>
        %bitcast3A_499 = vector.bitcast %and3A_498 : vector<16xi32> to vector<16xf32>
        %add3A_500 = arith.constant 1 : i32
        %add3A_501 = arith.addi %add3A_282, %add3A_500 : i32
        %add3A_502 = arith.constant 1 : i32
        %add3A_503 = arith.addi %add3A_282, %add3A_502 : i32
        %get3A_504 = arith.index_cast %add3A_501 : i32 to index
        %get3A_505 = arith.constant 48 : index
        %get3A_506 = tpu.vector_load %arg18[%get3A_504, %get3A_505] {strides = array<i32>} : memref<64x128xf32, #tpu.memory_space<vmem>>, vector<16xf32>,
        %mul3A_507 = arith.mulf %get3A_506, %bitcast3A_496 : vector<16xf32>
        %swap3A_508 = arith.index_cast %add3A_501 : i32 to index
        %swap3A_509 = arith.constant 48 : index
        %swap3A_510 = tpu.vector_load %arg18[%swap3A_508, %swap3A_509] {strides = array<i32>} : memref<64x128xf32, #tpu.memory_space<vmem>>, vector<16xf32>,
        tpu.vector_store %arg18[%swap3A_508, %swap3A_509], %mul3A_507 {strides = array<i32>} : memref<64x128xf32, #tpu.memory_space<vmem>>, vector<16xf32>,
        %get3A_511 = arith.index_cast %add3A_503 : i32 to index
        %get3A_512 = arith.constant 112 : index
        %get3A_513 = tpu.vector_load %arg18[%get3A_511, %get3A_512] {strides = array<i32>} : memref<64x128xf32, #tpu.memory_space<vmem>>, vector<16xf32>,
        %mul3A_514 = arith.mulf %get3A_513, %bitcast3A_499 : vector<16xf32>
        %swap3A_515 = arith.index_cast %add3A_503 : i32 to index
        %swap3A_516 = arith.constant 112 : index
        %swap3A_517 = tpu.vector_load %arg18[%swap3A_515, %swap3A_516] {strides = array<i32>} : memref<64x128xf32, #tpu.memory_space<vmem>>, vector<16xf32>,
        tpu.vector_store %arg18[%swap3A_515, %swap3A_516], %mul3A_514 {strides = array<i32>} : memref<64x128xf32, #tpu.memory_space<vmem>>, vector<16xf32>,
      }
      %scan3A_214 = arith.constant 32 : i32
      "tpu.region"() ({
        %run_scoped3A = tpu.sem_alloc : memref<!tpu.dma_semaphore, #tpu.memory_space<semaphore_mem>>
        %dma_start3A_278 = arith.constant 0 : i32
        %dma_start3A_279 = arith.constant 0 : i32
        %dma_start3A_280 = tpu.memref_slice %arg20[%dma_start3A_278, %dma_start3A_279] : memref<10000x128xf32, #tpu.memory_space<vmem_shared>> -> memref<10000x128xf32, #tpu.memory_space<vmem_shared>>
        tpu.enqueue_indirect_dma source(%arg18 : memref<64x128xf32, #tpu.memory_space<vmem>>) target(%dma_start3A_280 : memref<10000x128xf32, #tpu.memory_space<vmem_shared>>) offsets(%arg9 : memref<64xi32, #tpu.memory_space<vmem>>) semaphore(%run_scoped3A : memref<!tpu.dma_semaphore, #tpu.memory_space<semaphore_mem>>) {add = true}
        %dma_wait3A_281 = arith.constant 0 : i32
        %dma_wait3A_282 = arith.constant 0 : i32
        %dma_wait3A_283 = tpu.memref_slice %arg20[%dma_wait3A_281, %dma_wait3A_282] : memref<10000x128xf32, #tpu.memory_space<vmem_shared>> -> memref<10000x128xf32, #tpu.memory_space<vmem_shared>>
        tpu.wait_indirect_dma semaphore(%run_scoped3A : memref<!tpu.dma_semaphore, #tpu.memory_space<semaphore_mem>>) src(%arg18 : memref<64x128xf32, #tpu.memory_space<vmem>>) dst(%dma_wait3A_283 : memref<10000x128xf32, #tpu.memory_space<vmem_shared>>)
        tpu.yield
      }) : () -> ()
      %add3A_215 = arith.constant 2 : i32
      %add3A_216 = arith.addi %add3A_88, %add3A_215 : i32
      %add3A_217 = arith.constant 1 : i32
      %add3A_218 = arith.addi %add3A_216, %add3A_217 : i32
      %mul3A_219 = arith.constant 32 : i32
      %mul3A_220 = arith.muli %add3A_218, %mul3A_219 : i32
      %add3A_221 = arith.addi %add3A, %mul3A_220 : i32
      %min3A_222 = arith.constant 4999 : i32
      %min3A_223 = arith.minsi %add3A_221, %min3A_222 : i32
      %mul3A_224 = arith.constant 64 : i32
      %mul3A_225 = arith.muli %min3A_223, %mul3A_224 : i32
      %dma_wait3A_226 = tpu.memref_slice %arg3[%mul3A_225] : memref<320000xi32, #tpu.memory_space<hbm>> -> memref<64xi32, #tpu.memory_space<hbm>>
      %dma_wait3A_227 = tpu.memref_slice %arg3[%mul3A_225] : memref<320000xi32, #tpu.memory_space<hbm>> -> memref<64xi32, #tpu.memory_space<hbm>>
      tpu.wait_dma2 semaphore(%arg21 : memref<!tpu.dma_semaphore, #tpu.memory_space<semaphore_mem>>) src(%dma_wait3A_227 : memref<64xi32, #tpu.memory_space<hbm>>) dst(%arg8 : memref<64xi32, #tpu.memory_space<vmem>>)
      %dma_wait3A_228 = tpu.memref_slice %arg4[%mul3A_225] : memref<320000xi32, #tpu.memory_space<hbm>> -> memref<64xi32, #tpu.memory_space<hbm>>
      %dma_wait3A_229 = tpu.memref_slice %arg4[%mul3A_225] : memref<320000xi32, #tpu.memory_space<hbm>> -> memref<64xi32, #tpu.memory_space<hbm>>
      tpu.wait_dma2 semaphore(%arg21 : memref<!tpu.dma_semaphore, #tpu.memory_space<semaphore_mem>>) src(%dma_wait3A_229 : memref<64xi32, #tpu.memory_space<hbm>>) dst(%arg11 : memref<64xi32, #tpu.memory_space<vmem>>)
      %add3A_230 = arith.constant 1 : i32
      %add3A_231 = arith.addi %add3A_216, %add3A_230 : i32
      %mul3A_232 = arith.constant 32 : i32
      %mul3A_233 = arith.muli %add3A_231, %mul3A_232 : i32
      %add3A_234 = arith.addi %add3A, %mul3A_233 : i32
      %min3A_235 = arith.constant 4999 : i32
      %min3A_236 = arith.minsi %add3A_234, %min3A_235 : i32
      %mul3A_237 = arith.constant 64 : i32
      %mul3A_238 = arith.muli %min3A_236, %mul3A_237 : i32
      %dma_start3A_239 = arith.constant 0 : i32
      %dma_start3A_240 = tpu.memref_slice %arg2[%mul3A_238, %dma_start3A_239] : memref<320000x64xi32, #tpu.memory_space<hbm>> -> memref<64x64xi32, #tpu.memory_space<hbm>>
      %dma_start3A_241 = arith.constant 0 : i32
      %dma_start3A_242 = tpu.memref_slice %arg2[%mul3A_238, %dma_start3A_241] : memref<320000x64xi32, #tpu.memory_space<hbm>> -> memref<64x64xi32, #tpu.memory_space<hbm>>
      tpu.enqueue_dma source(%dma_start3A_242 : memref<64x64xi32, #tpu.memory_space<hbm>>) target(%arg14 : memref<64x64xi32, #tpu.memory_space<vmem>>) target_semaphore(%arg24 : memref<!tpu.dma_semaphore, #tpu.memory_space<semaphore_mem>>)
      %dma_start3A_243 = arith.constant 0 : i32
      %dma_start3A_244 = arith.constant 0 : i32
      %dma_start3A_245 = tpu.memref_slice %arg5[%dma_start3A_243, %dma_start3A_244] : memref<10000x128xf32, #tpu.memory_space<hbm>> -> memref<10000x128xf32, #tpu.memory_space<hbm>>
      tpu.enqueue_indirect_dma source(%dma_start3A_245 : memref<10000x128xf32, #tpu.memory_space<hbm>>) target(%arg17 : memref<64x128xf32, #tpu.memory_space<vmem>>) offsets(%arg11 : memref<64xi32, #tpu.memory_space<vmem>>) semaphore(%arg24 : memref<!tpu.dma_semaphore, #tpu.memory_space<semaphore_mem>>)
      %add3A_246 = arith.constant 2 : i32
      %add3A_247 = arith.addi %add3A_216, %add3A_246 : i32
      %mul3A_248 = arith.constant 32 : i32
      %mul3A_249 = arith.muli %add3A_247, %mul3A_248 : i32
      %add3A_250 = arith.addi %add3A, %mul3A_249 : i32
      %min3A_251 = arith.constant 4999 : i32
      %min3A_252 = arith.minsi %add3A_250, %min3A_251 : i32
      %mul3A_253 = arith.constant 64 : i32
      %mul3A_254 = arith.muli %min3A_252, %mul3A_253 : i32
      %dma_start3A_255 = tpu.memref_slice %arg3[%mul3A_254] : memref<320000xi32, #tpu.memory_space<hbm>> -> memref<64xi32, #tpu.memory_space<hbm>>
      %dma_start3A_256 = tpu.memref_slice %arg3[%mul3A_254] : memref<320000xi32, #tpu.memory_space<hbm>> -> memref<64xi32, #tpu.memory_space<hbm>>
      tpu.enqueue_dma source(%dma_start3A_256 : memref<64xi32, #tpu.memory_space<hbm>>) target(%arg9 : memref<64xi32, #tpu.memory_space<vmem>>) target_semaphore(%arg22 : memref<!tpu.dma_semaphore, #tpu.memory_space<semaphore_mem>>)
      %dma_start3A_257 = tpu.memref_slice %arg4[%mul3A_254] : memref<320000xi32, #tpu.memory_space<hbm>> -> memref<64xi32, #tpu.memory_space<hbm>>
      %dma_start3A_258 = tpu.memref_slice %arg4[%mul3A_254] : memref<320000xi32, #tpu.memory_space<hbm>> -> memref<64xi32, #tpu.memory_space<hbm>>
      tpu.enqueue_dma source(%dma_start3A_258 : memref<64xi32, #tpu.memory_space<hbm>>) target(%arg12 : memref<64xi32, #tpu.memory_space<vmem>>) target_semaphore(%arg22 : memref<!tpu.dma_semaphore, #tpu.memory_space<semaphore_mem>>)
      %mul3A_259 = arith.constant 32 : i32
      %mul3A_260 = arith.muli %add3A_216, %mul3A_259 : i32
      %add3A_261 = arith.addi %add3A, %mul3A_260 : i32
      %min3A_262 = arith.constant 4999 : i32
      %min3A_263 = arith.minsi %add3A_261, %min3A_262 : i32
      %mul3A_264 = arith.constant 64 : i32
      %mul3A_265 = arith.muli %min3A_263, %mul3A_264 : i32
      %dma_wait3A_266 = arith.constant 0 : i32
      %dma_wait3A_267 = tpu.memref_slice %arg2[%mul3A_265, %dma_wait3A_266] : memref<320000x64xi32, #tpu.memory_space<hbm>> -> memref<64x64xi32, #tpu.memory_space<hbm>>
      %dma_wait3A_268 = arith.constant 0 : i32
      %dma_wait3A_269 = tpu.memref_slice %arg2[%mul3A_265, %dma_wait3A_268] : memref<320000x64xi32, #tpu.memory_space<hbm>> -> memref<64x64xi32, #tpu.memory_space<hbm>>
      tpu.wait_dma2 semaphore(%arg26 : memref<!tpu.dma_semaphore, #tpu.memory_space<semaphore_mem>>) src(%dma_wait3A_269 : memref<64x64xi32, #tpu.memory_space<hbm>>) dst(%arg16 : memref<64x64xi32, #tpu.memory_space<vmem>>)
      %dma_wait3A_270 = arith.constant 0 : i32
      %dma_wait3A_271 = arith.constant 0 : i32
      %dma_wait3A_272 = tpu.memref_slice %arg5[%dma_wait3A_270, %dma_wait3A_271] : memref<10000x128xf32, #tpu.memory_space<hbm>> -> memref<10000x128xf32, #tpu.memory_space<hbm>>
      tpu.wait_indirect_dma semaphore(%arg26 : memref<!tpu.dma_semaphore, #tpu.memory_space<semaphore_mem>>) src(%dma_wait3A_272 : memref<10000x128xf32, #tpu.memory_space<hbm>>) dst(%arg19 : memref<64x128xf32, #tpu.memory_space<vmem>>)
      %scan3A_273 = arith.constant 0 : i32
      %scan3A_274 = arith.constant 32 : i32
      %scan3A_275 = arith.addi %scan3A_273, %scan3A_274 : i32
      %scan3A_276 = arith.constant 1 : i32
      scf.for %scan3A_278 = %scan3A_273 to %scan3A_275 step %scan3A_276  : i32 {
        %mul3A_279 = arith.constant 2 : i32
        %mul3A_280 = arith.muli %scan3A_278, %mul3A_279 : i32
        %add3A_281 = arith.constant 0 : i32
        %add3A_282 = arith.addi %add3A_281, %mul3A_280 : i32
        %add3A_283 = arith.constant 0 : i32
        %add3A_284 = arith.addi %add3A_282, %add3A_283 : i32
        %get3A = arith.index_cast %add3A_284 : i32 to index
        %get3A_285 = arith.constant 0 : index
        %get3A_286 = tpu.vector_load %arg16[%get3A, %get3A_285] {strides = array<i32>} : memref<64x64xi32, #tpu.memory_space<vmem>>, vector<16xi32>,
        %shift_left3A = arith.constant 16 : i32
        %shift_left3A_287 = vector.broadcast %shift_left3A : i32 to vector<16xi32>
        %shift_left3A_288 = arith.shli %get3A_286, %shift_left3A_287 : vector<16xi32>
        %bitcast3A = vector.bitcast %shift_left3A_288 : vector<16xi32> to vector<16xf32>
        %and3A = vector.broadcast %scan3A : i32 to vector<16xi32>
        %and3A_289 = arith.andi %get3A_286, %and3A : vector<16xi32>
        %bitcast3A_290 = vector.bitcast %and3A_289 : vector<16xi32> to vector<16xf32>
        %add3A_291 = arith.constant 0 : i32
        %add3A_292 = arith.addi %add3A_282, %add3A_291 : i32
        %add3A_293 = arith.constant 0 : i32
        %add3A_294 = arith.addi %add3A_282, %add3A_293 : i32
        %get3A_295 = arith.index_cast %add3A_292 : i32 to index
        %get3A_296 = arith.constant 0 : index
        %get3A_297 = tpu.vector_load %arg19[%get3A_295, %get3A_296] {strides = array<i32>} : memref<64x128xf32, #tpu.memory_space<vmem>>, vector<16xf32>,
        %mul3A_298 = arith.mulf %get3A_297, %bitcast3A : vector<16xf32>
        %swap3A = arith.index_cast %add3A_292 : i32 to index
        %swap3A_299 = arith.constant 0 : index
        %swap3A_300 = tpu.vector_load %arg19[%swap3A, %swap3A_299] {strides = array<i32>} : memref<64x128xf32, #tpu.memory_space<vmem>>, vector<16xf32>,
        tpu.vector_store %arg19[%swap3A, %swap3A_299], %mul3A_298 {strides = array<i32>} : memref<64x128xf32, #tpu.memory_space<vmem>>, vector<16xf32>,
        %get3A_301 = arith.index_cast %add3A_294 : i32 to index
        %get3A_302 = arith.constant 64 : index
        %get3A_303 = tpu.vector_load %arg19[%get3A_301, %get3A_302] {strides = array<i32>} : memref<64x128xf32, #tpu.memory_space<vmem>>, vector<16xf32>,
        %mul3A_304 = arith.mulf %get3A_303, %bitcast3A_290 : vector<16xf32>
        %swap3A_305 = arith.index_cast %add3A_294 : i32 to index
        %swap3A_306 = arith.constant 64 : index
        %swap3A_307 = tpu.vector_load %arg19[%swap3A_305, %swap3A_306] {strides = array<i32>} : memref<64x128xf32, #tpu.memory_space<vmem>>, vector<16xf32>,
        tpu.vector_store %arg19[%swap3A_305, %swap3A_306], %mul3A_304 {strides = array<i32>} : memref<64x128xf32, #tpu.memory_space<vmem>>, vector<16xf32>,
        %add3A_308 = arith.constant 0 : i32
        %add3A_309 = arith.addi %add3A_282, %add3A_308 : i32
        %get3A_310 = arith.index_cast %add3A_309 : i32 to index
        %get3A_311 = arith.constant 16 : index
        %get3A_312 = tpu.vector_load %arg16[%get3A_310, %get3A_311] {strides = array<i32>} : memref<64x64xi32, #tpu.memory_space<vmem>>, vector<16xi32>,
        %shift_left3A_313 = arith.constant 16 : i32
        %shift_left3A_314 = vector.broadcast %shift_left3A_313 : i32 to vector<16xi32>
        %shift_left3A_315 = arith.shli %get3A_312, %shift_left3A_314 : vector<16xi32>
        %bitcast3A_316 = vector.bitcast %shift_left3A_315 : vector<16xi32> to vector<16xf32>
        %and3A_317 = vector.broadcast %scan3A : i32 to vector<16xi32>
        %and3A_318 = arith.andi %get3A_312, %and3A_317 : vector<16xi32>
        %bitcast3A_319 = vector.bitcast %and3A_318 : vector<16xi32> to vector<16xf32>
        %add3A_320 = arith.constant 0 : i32
        %add3A_321 = arith.addi %add3A_282, %add3A_320 : i32
        %add3A_322 = arith.constant 0 : i32
        %add3A_323 = arith.addi %add3A_282, %add3A_322 : i32
        %get3A_324 = arith.index_cast %add3A_321 : i32 to index
        %get3A_325 = arith.constant 16 : index
        %get3A_326 = tpu.vector_load %arg19[%get3A_324, %get3A_325] {strides = array<i32>} : memref<64x128xf32, #tpu.memory_space<vmem>>, vector<16xf32>,
        %mul3A_327 = arith.mulf %get3A_326, %bitcast3A_316 : vector<16xf32>
        %swap3A_328 = arith.index_cast %add3A_321 : i32 to index
        %swap3A_329 = arith.constant 16 : index
        %swap3A_330 = tpu.vector_load %arg19[%swap3A_328, %swap3A_329] {strides = array<i32>} : memref<64x128xf32, #tpu.memory_space<vmem>>, vector<16xf32>,
        tpu.vector_store %arg19[%swap3A_328, %swap3A_329], %mul3A_327 {strides = array<i32>} : memref<64x128xf32, #tpu.memory_space<vmem>>, vector<16xf32>,
        %get3A_331 = arith.index_cast %add3A_323 : i32 to index
        %get3A_332 = arith.constant 80 : index
        %get3A_333 = tpu.vector_load %arg19[%get3A_331, %get3A_332] {strides = array<i32>} : memref<64x128xf32, #tpu.memory_space<vmem>>, vector<16xf32>,
        %mul3A_334 = arith.mulf %get3A_333, %bitcast3A_319 : vector<16xf32>
        %swap3A_335 = arith.index_cast %add3A_323 : i32 to index
        %swap3A_336 = arith.constant 80 : index
        %swap3A_337 = tpu.vector_load %arg19[%swap3A_335, %swap3A_336] {strides = array<i32>} : memref<64x128xf32, #tpu.memory_space<vmem>>, vector<16xf32>,
        tpu.vector_store %arg19[%swap3A_335, %swap3A_336], %mul3A_334 {strides = array<i32>} : memref<64x128xf32, #tpu.memory_space<vmem>>, vector<16xf32>,
        %add3A_338 = arith.constant 0 : i32
        %add3A_339 = arith.addi %add3A_282, %add3A_338 : i32
        %get3A_340 = arith.index_cast %add3A_339 : i32 to index
        %get3A_341 = arith.constant 32 : index
        %get3A_342 = tpu.vector_load %arg16[%get3A_340, %get3A_341] {strides = array<i32>} : memref<64x64xi32, #tpu.memory_space<vmem>>, vector<16xi32>,
        %shift_left3A_343 = arith.constant 16 : i32
        %shift_left3A_344 = vector.broadcast %shift_left3A_343 : i32 to vector<16xi32>
        %shift_left3A_345 = arith.shli %get3A_342, %shift_left3A_344 : vector<16xi32>
        %bitcast3A_346 = vector.bitcast %shift_left3A_345 : vector<16xi32> to vector<16xf32>
        %and3A_347 = vector.broadcast %scan3A : i32 to vector<16xi32>
        %and3A_348 = arith.andi %get3A_342, %and3A_347 : vector<16xi32>
        %bitcast3A_349 = vector.bitcast %and3A_348 : vector<16xi32> to vector<16xf32>
        %add3A_350 = arith.constant 0 : i32
        %add3A_351 = arith.addi %add3A_282, %add3A_350 : i32
        %add3A_352 = arith.constant 0 : i32
        %add3A_353 = arith.addi %add3A_282, %add3A_352 : i32
        %get3A_354 = arith.index_cast %add3A_351 : i32 to index
        %get3A_355 = arith.constant 32 : index
        %get3A_356 = tpu.vector_load %arg19[%get3A_354, %get3A_355] {strides = array<i32>} : memref<64x128xf32, #tpu.memory_space<vmem>>, vector<16xf32>,
        %mul3A_357 = arith.mulf %get3A_356, %bitcast3A_346 : vector<16xf32>
        %swap3A_358 = arith.index_cast %add3A_351 : i32 to index
        %swap3A_359 = arith.constant 32 : index
        %swap3A_360 = tpu.vector_load %arg19[%swap3A_358, %swap3A_359] {strides = array<i32>} : memref<64x128xf32, #tpu.memory_space<vmem>>, vector<16xf32>,
        tpu.vector_store %arg19[%swap3A_358, %swap3A_359], %mul3A_357 {strides = array<i32>} : memref<64x128xf32, #tpu.memory_space<vmem>>, vector<16xf32>,
        %get3A_361 = arith.index_cast %add3A_353 : i32 to index
        %get3A_362 = arith.constant 96 : index
        %get3A_363 = tpu.vector_load %arg19[%get3A_361, %get3A_362] {strides = array<i32>} : memref<64x128xf32, #tpu.memory_space<vmem>>, vector<16xf32>,
        %mul3A_364 = arith.mulf %get3A_363, %bitcast3A_349 : vector<16xf32>
        %swap3A_365 = arith.index_cast %add3A_353 : i32 to index
        %swap3A_366 = arith.constant 96 : index
        %swap3A_367 = tpu.vector_load %arg19[%swap3A_365, %swap3A_366] {strides = array<i32>} : memref<64x128xf32, #tpu.memory_space<vmem>>, vector<16xf32>,
        tpu.vector_store %arg19[%swap3A_365, %swap3A_366], %mul3A_364 {strides = array<i32>} : memref<64x128xf32, #tpu.memory_space<vmem>>, vector<16xf32>,
        %add3A_368 = arith.constant 0 : i32
        %add3A_369 = arith.addi %add3A_282, %add3A_368 : i32
        %get3A_370 = arith.index_cast %add3A_369 : i32 to index
        %get3A_371 = arith.constant 48 : index
        %get3A_372 = tpu.vector_load %arg16[%get3A_370, %get3A_371] {strides = array<i32>} : memref<64x64xi32, #tpu.memory_space<vmem>>, vector<16xi32>,
        %shift_left3A_373 = arith.constant 16 : i32
        %shift_left3A_374 = vector.broadcast %shift_left3A_373 : i32 to vector<16xi32>
        %shift_left3A_375 = arith.shli %get3A_372, %shift_left3A_374 : vector<16xi32>
        %bitcast3A_376 = vector.bitcast %shift_left3A_375 : vector<16xi32> to vector<16xf32>
        %and3A_377 = vector.broadcast %scan3A : i32 to vector<16xi32>
        %and3A_378 = arith.andi %get3A_372, %and3A_377 : vector<16xi32>
        %bitcast3A_379 = vector.bitcast %and3A_378 : vector<16xi32> to vector<16xf32>
        %add3A_380 = arith.constant 0 : i32
        %add3A_381 = arith.addi %add3A_282, %add3A_380 : i32
        %add3A_382 = arith.constant 0 : i32
        %add3A_383 = arith.addi %add3A_282, %add3A_382 : i32
        %get3A_384 = arith.index_cast %add3A_381 : i32 to index
        %get3A_385 = arith.constant 48 : index
        %get3A_386 = tpu.vector_load %arg19[%get3A_384, %get3A_385] {strides = array<i32>} : memref<64x128xf32, #tpu.memory_space<vmem>>, vector<16xf32>,
        %mul3A_387 = arith.mulf %get3A_386, %bitcast3A_376 : vector<16xf32>
        %swap3A_388 = arith.index_cast %add3A_381 : i32 to index
        %swap3A_389 = arith.constant 48 : index
        %swap3A_390 = tpu.vector_load %arg19[%swap3A_388, %swap3A_389] {strides = array<i32>} : memref<64x128xf32, #tpu.memory_space<vmem>>, vector<16xf32>,
        tpu.vector_store %arg19[%swap3A_388, %swap3A_389], %mul3A_387 {strides = array<i32>} : memref<64x128xf32, #tpu.memory_space<vmem>>, vector<16xf32>,
        %get3A_391 = arith.index_cast %add3A_383 : i32 to index
        %get3A_392 = arith.constant 112 : index
        %get3A_393 = tpu.vector_load %arg19[%get3A_391, %get3A_392] {strides = array<i32>} : memref<64x128xf32, #tpu.memory_space<vmem>>, vector<16xf32>,
        %mul3A_394 = arith.mulf %get3A_393, %bitcast3A_379 : vector<16xf32>
        %swap3A_395 = arith.index_cast %add3A_383 : i32 to index
        %swap3A_396 = arith.constant 112 : index
        %swap3A_397 = tpu.vector_load %arg19[%swap3A_395, %swap3A_396] {strides = array<i32>} : memref<64x128xf32, #tpu.memory_space<vmem>>, vector<16xf32>,
        tpu.vector_store %arg19[%swap3A_395, %swap3A_396], %mul3A_394 {strides = array<i32>} : memref<64x128xf32, #tpu.memory_space<vmem>>, vector<16xf32>,
        %add3A_398 = arith.constant 1 : i32
        %add3A_399 = arith.addi %add3A_282, %add3A_398 : i32
        %get3A_400 = arith.index_cast %add3A_399 : i32 to index
        %get3A_401 = arith.constant 0 : index
        %get3A_402 = tpu.vector_load %arg16[%get3A_400, %get3A_401] {strides = array<i32>} : memref<64x64xi32, #tpu.memory_space<vmem>>, vector<16xi32>,
        %shift_left3A_403 = arith.constant 16 : i32
        %shift_left3A_404 = vector.broadcast %shift_left3A_403 : i32 to vector<16xi32>
        %shift_left3A_405 = arith.shli %get3A_402, %shift_left3A_404 : vector<16xi32>
        %bitcast3A_406 = vector.bitcast %shift_left3A_405 : vector<16xi32> to vector<16xf32>
        %and3A_407 = vector.broadcast %scan3A : i32 to vector<16xi32>
        %and3A_408 = arith.andi %get3A_402, %and3A_407 : vector<16xi32>
        %bitcast3A_409 = vector.bitcast %and3A_408 : vector<16xi32> to vector<16xf32>
        %add3A_410 = arith.constant 1 : i32
        %add3A_411 = arith.addi %add3A_282, %add3A_410 : i32
        %add3A_412 = arith.constant 1 : i32
        %add3A_413 = arith.addi %add3A_282, %add3A_412 : i32
        %get3A_414 = arith.index_cast %add3A_411 : i32 to index
        %get3A_415 = arith.constant 0 : index
        %get3A_416 = tpu.vector_load %arg19[%get3A_414, %get3A_415] {strides = array<i32>} : memref<64x128xf32, #tpu.memory_space<vmem>>, vector<16xf32>,
        %mul3A_417 = arith.mulf %get3A_416, %bitcast3A_406 : vector<16xf32>
        %swap3A_418 = arith.index_cast %add3A_411 : i32 to index
        %swap3A_419 = arith.constant 0 : index
        %swap3A_420 = tpu.vector_load %arg19[%swap3A_418, %swap3A_419] {strides = array<i32>} : memref<64x128xf32, #tpu.memory_space<vmem>>, vector<16xf32>,
        tpu.vector_store %arg19[%swap3A_418, %swap3A_419], %mul3A_417 {strides = array<i32>} : memref<64x128xf32, #tpu.memory_space<vmem>>, vector<16xf32>,
        %get3A_421 = arith.index_cast %add3A_413 : i32 to index
        %get3A_422 = arith.constant 64 : index
        %get3A_423 = tpu.vector_load %arg19[%get3A_421, %get3A_422] {strides = array<i32>} : memref<64x128xf32, #tpu.memory_space<vmem>>, vector<16xf32>,
        %mul3A_424 = arith.mulf %get3A_423, %bitcast3A_409 : vector<16xf32>
        %swap3A_425 = arith.index_cast %add3A_413 : i32 to index
        %swap3A_426 = arith.constant 64 : index
        %swap3A_427 = tpu.vector_load %arg19[%swap3A_425, %swap3A_426] {strides = array<i32>} : memref<64x128xf32, #tpu.memory_space<vmem>>, vector<16xf32>,
        tpu.vector_store %arg19[%swap3A_425, %swap3A_426], %mul3A_424 {strides = array<i32>} : memref<64x128xf32, #tpu.memory_space<vmem>>, vector<16xf32>,
        %add3A_428 = arith.constant 1 : i32
        %add3A_429 = arith.addi %add3A_282, %add3A_428 : i32
        %get3A_430 = arith.index_cast %add3A_429 : i32 to index
        %get3A_431 = arith.constant 16 : index
        %get3A_432 = tpu.vector_load %arg16[%get3A_430, %get3A_431] {strides = array<i32>} : memref<64x64xi32, #tpu.memory_space<vmem>>, vector<16xi32>,
        %shift_left3A_433 = arith.constant 16 : i32
        %shift_left3A_434 = vector.broadcast %shift_left3A_433 : i32 to vector<16xi32>
        %shift_left3A_435 = arith.shli %get3A_432, %shift_left3A_434 : vector<16xi32>
        %bitcast3A_436 = vector.bitcast %shift_left3A_435 : vector<16xi32> to vector<16xf32>
        %and3A_437 = vector.broadcast %scan3A : i32 to vector<16xi32>
        %and3A_438 = arith.andi %get3A_432, %and3A_437 : vector<16xi32>
        %bitcast3A_439 = vector.bitcast %and3A_438 : vector<16xi32> to vector<16xf32>
        %add3A_440 = arith.constant 1 : i32
        %add3A_441 = arith.addi %add3A_282, %add3A_440 : i32
        %add3A_442 = arith.constant 1 : i32
        %add3A_443 = arith.addi %add3A_282, %add3A_442 : i32
        %get3A_444 = arith.index_cast %add3A_441 : i32 to index
        %get3A_445 = arith.constant 16 : index
        %get3A_446 = tpu.vector_load %arg19[%get3A_444, %get3A_445] {strides = array<i32>} : memref<64x128xf32, #tpu.memory_space<vmem>>, vector<16xf32>,
        %mul3A_447 = arith.mulf %get3A_446, %bitcast3A_436 : vector<16xf32>
        %swap3A_448 = arith.index_cast %add3A_441 : i32 to index
        %swap3A_449 = arith.constant 16 : index
        %swap3A_450 = tpu.vector_load %arg19[%swap3A_448, %swap3A_449] {strides = array<i32>} : memref<64x128xf32, #tpu.memory_space<vmem>>, vector<16xf32>,
        tpu.vector_store %arg19[%swap3A_448, %swap3A_449], %mul3A_447 {strides = array<i32>} : memref<64x128xf32, #tpu.memory_space<vmem>>, vector<16xf32>,
        %get3A_451 = arith.index_cast %add3A_443 : i32 to index
        %get3A_452 = arith.constant 80 : index
        %get3A_453 = tpu.vector_load %arg19[%get3A_451, %get3A_452] {strides = array<i32>} : memref<64x128xf32, #tpu.memory_space<vmem>>, vector<16xf32>,
        %mul3A_454 = arith.mulf %get3A_453, %bitcast3A_439 : vector<16xf32>
        %swap3A_455 = arith.index_cast %add3A_443 : i32 to index
        %swap3A_456 = arith.constant 80 : index
        %swap3A_457 = tpu.vector_load %arg19[%swap3A_455, %swap3A_456] {strides = array<i32>} : memref<64x128xf32, #tpu.memory_space<vmem>>, vector<16xf32>,
        tpu.vector_store %arg19[%swap3A_455, %swap3A_456], %mul3A_454 {strides = array<i32>} : memref<64x128xf32, #tpu.memory_space<vmem>>, vector<16xf32>,
        %add3A_458 = arith.constant 1 : i32
        %add3A_459 = arith.addi %add3A_282, %add3A_458 : i32
        %get3A_460 = arith.index_cast %add3A_459 : i32 to index
        %get3A_461 = arith.constant 32 : index
        %get3A_462 = tpu.vector_load %arg16[%get3A_460, %get3A_461] {strides = array<i32>} : memref<64x64xi32, #tpu.memory_space<vmem>>, vector<16xi32>,
        %shift_left3A_463 = arith.constant 16 : i32
        %shift_left3A_464 = vector.broadcast %shift_left3A_463 : i32 to vector<16xi32>
        %shift_left3A_465 = arith.shli %get3A_462, %shift_left3A_464 : vector<16xi32>
        %bitcast3A_466 = vector.bitcast %shift_left3A_465 : vector<16xi32> to vector<16xf32>
        %and3A_467 = vector.broadcast %scan3A : i32 to vector<16xi32>
        %and3A_468 = arith.andi %get3A_462, %and3A_467 : vector<16xi32>
        %bitcast3A_469 = vector.bitcast %and3A_468 : vector<16xi32> to vector<16xf32>
        %add3A_470 = arith.constant 1 : i32
        %add3A_471 = arith.addi %add3A_282, %add3A_470 : i32
        %add3A_472 = arith.constant 1 : i32
        %add3A_473 = arith.addi %add3A_282, %add3A_472 : i32
        %get3A_474 = arith.index_cast %add3A_471 : i32 to index
        %get3A_475 = arith.constant 32 : index
        %get3A_476 = tpu.vector_load %arg19[%get3A_474, %get3A_475] {strides = array<i32>} : memref<64x128xf32, #tpu.memory_space<vmem>>, vector<16xf32>,
        %mul3A_477 = arith.mulf %get3A_476, %bitcast3A_466 : vector<16xf32>
        %swap3A_478 = arith.index_cast %add3A_471 : i32 to index
        %swap3A_479 = arith.constant 32 : index
        %swap3A_480 = tpu.vector_load %arg19[%swap3A_478, %swap3A_479] {strides = array<i32>} : memref<64x128xf32, #tpu.memory_space<vmem>>, vector<16xf32>,
        tpu.vector_store %arg19[%swap3A_478, %swap3A_479], %mul3A_477 {strides = array<i32>} : memref<64x128xf32, #tpu.memory_space<vmem>>, vector<16xf32>,
        %get3A_481 = arith.index_cast %add3A_473 : i32 to index
        %get3A_482 = arith.constant 96 : index
        %get3A_483 = tpu.vector_load %arg19[%get3A_481, %get3A_482] {strides = array<i32>} : memref<64x128xf32, #tpu.memory_space<vmem>>, vector<16xf32>,
        %mul3A_484 = arith.mulf %get3A_483, %bitcast3A_469 : vector<16xf32>
        %swap3A_485 = arith.index_cast %add3A_473 : i32 to index
        %swap3A_486 = arith.constant 96 : index
        %swap3A_487 = tpu.vector_load %arg19[%swap3A_485, %swap3A_486] {strides = array<i32>} : memref<64x128xf32, #tpu.memory_space<vmem>>, vector<16xf32>,
        tpu.vector_store %arg19[%swap3A_485, %swap3A_486], %mul3A_484 {strides = array<i32>} : memref<64x128xf32, #tpu.memory_space<vmem>>, vector<16xf32>,
        %add3A_488 = arith.constant 1 : i32
        %add3A_489 = arith.addi %add3A_282, %add3A_488 : i32
        %get3A_490 = arith.index_cast %add3A_489 : i32 to index
        %get3A_491 = arith.constant 48 : index
        %get3A_492 = tpu.vector_load %arg16[%get3A_490, %get3A_491] {strides = array<i32>} : memref<64x64xi32, #tpu.memory_space<vmem>>, vector<16xi32>,
        %shift_left3A_493 = arith.constant 16 : i32
        %shift_left3A_494 = vector.broadcast %shift_left3A_493 : i32 to vector<16xi32>
        %shift_left3A_495 = arith.shli %get3A_492, %shift_left3A_494 : vector<16xi32>
        %bitcast3A_496 = vector.bitcast %shift_left3A_495 : vector<16xi32> to vector<16xf32>
        %and3A_497 = vector.broadcast %scan3A : i32 to vector<16xi32>
        %and3A_498 = arith.andi %get3A_492, %and3A_497 : vector<16xi32>
        %bitcast3A_499 = vector.bitcast %and3A_498 : vector<16xi32> to vector<16xf32>
        %add3A_500 = arith.constant 1 : i32
        %add3A_501 = arith.addi %add3A_282, %add3A_500 : i32
        %add3A_502 = arith.constant 1 : i32
        %add3A_503 = arith.addi %add3A_282, %add3A_502 : i32
        %get3A_504 = arith.index_cast %add3A_501 : i32 to index
        %get3A_505 = arith.constant 48 : index
        %get3A_506 = tpu.vector_load %arg19[%get3A_504, %get3A_505] {strides = array<i32>} : memref<64x128xf32, #tpu.memory_space<vmem>>, vector<16xf32>,
        %mul3A_507 = arith.mulf %get3A_506, %bitcast3A_496 : vector<16xf32>
        %swap3A_508 = arith.index_cast %add3A_501 : i32 to index
        %swap3A_509 = arith.constant 48 : index
        %swap3A_510 = tpu.vector_load %arg19[%swap3A_508, %swap3A_509] {strides = array<i32>} : memref<64x128xf32, #tpu.memory_space<vmem>>, vector<16xf32>,
        tpu.vector_store %arg19[%swap3A_508, %swap3A_509], %mul3A_507 {strides = array<i32>} : memref<64x128xf32, #tpu.memory_space<vmem>>, vector<16xf32>,
        %get3A_511 = arith.index_cast %add3A_503 : i32 to index
        %get3A_512 = arith.constant 112 : index
        %get3A_513 = tpu.vector_load %arg19[%get3A_511, %get3A_512] {strides = array<i32>} : memref<64x128xf32, #tpu.memory_space<vmem>>, vector<16xf32>,
        %mul3A_514 = arith.mulf %get3A_513, %bitcast3A_499 : vector<16xf32>
        %swap3A_515 = arith.index_cast %add3A_503 : i32 to index
        %swap3A_516 = arith.constant 112 : index
        %swap3A_517 = tpu.vector_load %arg19[%swap3A_515, %swap3A_516] {strides = array<i32>} : memref<64x128xf32, #tpu.memory_space<vmem>>, vector<16xf32>,
        tpu.vector_store %arg19[%swap3A_515, %swap3A_516], %mul3A_514 {strides = array<i32>} : memref<64x128xf32, #tpu.memory_space<vmem>>, vector<16xf32>,
      }
      %scan3A_277 = arith.constant 32 : i32
      "tpu.region"() ({
        %run_scoped3A = tpu.sem_alloc : memref<!tpu.dma_semaphore, #tpu.memory_space<semaphore_mem>>
        %dma_start3A_278 = arith.constant 0 : i32
        %dma_start3A_279 = arith.constant 0 : i32
        %dma_start3A_280 = tpu.memref_slice %arg20[%dma_start3A_278, %dma_start3A_279] : memref<10000x128xf32, #tpu.memory_space<vmem_shared>> -> memref<10000x128xf32, #tpu.memory_space<vmem_shared>>
        tpu.enqueue_indirect_dma source(%arg19 : memref<64x128xf32, #tpu.memory_space<vmem>>) target(%dma_start3A_280 : memref<10000x128xf32, #tpu.memory_space<vmem_shared>>) offsets(%arg10 : memref<64xi32, #tpu.memory_space<vmem>>) semaphore(%run_scoped3A : memref<!tpu.dma_semaphore, #tpu.memory_space<semaphore_mem>>) {add = true}
        %dma_wait3A_281 = arith.constant 0 : i32
        %dma_wait3A_282 = arith.constant 0 : i32
        %dma_wait3A_283 = tpu.memref_slice %arg20[%dma_wait3A_281, %dma_wait3A_282] : memref<10000x128xf32, #tpu.memory_space<vmem_shared>> -> memref<10000x128xf32, #tpu.memory_space<vmem_shared>>
        tpu.wait_indirect_dma semaphore(%run_scoped3A : memref<!tpu.dma_semaphore, #tpu.memory_space<semaphore_mem>>) src(%arg19 : memref<64x128xf32, #tpu.memory_space<vmem>>) dst(%dma_wait3A_283 : memref<10000x128xf32, #tpu.memory_space<vmem_shared>>)
        tpu.yield
      }) : () -> ()
    }
    %scan3A_49 = arith.constant 52 : i32
    %add3A_50 = arith.constant 4992 : i32
    %add3A_51 = arith.addi %add3A, %add3A_50 : i32
    %min3A_52 = arith.constant 4999 : i32
    %min3A_53 = arith.minsi %add3A_51, %min3A_52 : i32
    %mul3A_54 = arith.constant 64 : i32
    %mul3A_55 = arith.muli %min3A_53, %mul3A_54 : i32
    %dma_wait3A_56 = arith.constant 0 : i32
    %dma_wait3A_57 = tpu.memref_slice %arg2[%mul3A_55, %dma_wait3A_56] : memref<320000x64xi32, #tpu.memory_space<hbm>> -> memref<64x64xi32, #tpu.memory_space<hbm>>
    %dma_wait3A_58 = arith.constant 0 : i32
    %dma_wait3A_59 = tpu.memref_slice %arg2[%mul3A_55, %dma_wait3A_58] : memref<320000x64xi32, #tpu.memory_space<hbm>> -> memref<64x64xi32, #tpu.memory_space<hbm>>
    tpu.wait_dma2 semaphore(%arg24 : memref<!tpu.dma_semaphore, #tpu.memory_space<semaphore_mem>>) src(%dma_wait3A_59 : memref<64x64xi32, #tpu.memory_space<hbm>>) dst(%arg14 : memref<64x64xi32, #tpu.memory_space<vmem>>)
    %dma_wait3A_60 = arith.constant 0 : i32
    %dma_wait3A_61 = arith.constant 0 : i32
    %dma_wait3A_62 = tpu.memref_slice %arg5[%dma_wait3A_60, %dma_wait3A_61] : memref<10000x128xf32, #tpu.memory_space<hbm>> -> memref<10000x128xf32, #tpu.memory_space<hbm>>
    tpu.wait_indirect_dma semaphore(%arg24 : memref<!tpu.dma_semaphore, #tpu.memory_space<semaphore_mem>>) src(%dma_wait3A_62 : memref<10000x128xf32, #tpu.memory_space<hbm>>) dst(%arg17 : memref<64x128xf32, #tpu.memory_space<vmem>>)
    %add3A_63 = arith.constant 5024 : i32
    %add3A_64 = arith.addi %add3A, %add3A_63 : i32
    %min3A_65 = arith.constant 4999 : i32
    %min3A_66 = arith.minsi %add3A_64, %min3A_65 : i32
    %mul3A_67 = arith.constant 64 : i32
    %mul3A_68 = arith.muli %min3A_66, %mul3A_67 : i32
    %dma_wait3A_69 = tpu.memref_slice %arg3[%mul3A_68] : memref<320000xi32, #tpu.memory_space<hbm>> -> memref<64xi32, #tpu.memory_space<hbm>>
    %dma_wait3A_70 = tpu.memref_slice %arg3[%mul3A_68] : memref<320000xi32, #tpu.memory_space<hbm>> -> memref<64xi32, #tpu.memory_space<hbm>>
    tpu.wait_dma2 semaphore(%arg22 : memref<!tpu.dma_semaphore, #tpu.memory_space<semaphore_mem>>) src(%dma_wait3A_70 : memref<64xi32, #tpu.memory_space<hbm>>) dst(%arg9 : memref<64xi32, #tpu.memory_space<vmem>>)
    %dma_wait3A_71 = tpu.memref_slice %arg4[%mul3A_68] : memref<320000xi32, #tpu.memory_space<hbm>> -> memref<64xi32, #tpu.memory_space<hbm>>
    %dma_wait3A_72 = tpu.memref_slice %arg4[%mul3A_68] : memref<320000xi32, #tpu.memory_space<hbm>> -> memref<64xi32, #tpu.memory_space<hbm>>
    tpu.wait_dma2 semaphore(%arg22 : memref<!tpu.dma_semaphore, #tpu.memory_space<semaphore_mem>>) src(%dma_wait3A_72 : memref<64xi32, #tpu.memory_space<hbm>>) dst(%arg12 : memref<64xi32, #tpu.memory_space<vmem>>)
    %lt3A = arith.constant 8 : i32
    %lt3A_73 = arith.cmpi slt, %add3A, %lt3A : i32
    %convert_element_type3A_74 = arith.extui %lt3A_73 : i1 to i32
    %cond3A_75 = arith.constant -65536 : i32
    %cond3A_76 = arith.constant 0 : i32
    %cond3A_77 = arith.cmpi ne, %convert_element_type3A_74, %cond3A_76 : i32
    scf.if %cond3A_77 {
      %add3A_84 = arith.constant 4992 : i32
      %add3A_85 = arith.addi %add3A_84, %add3A : i32
      %mul3A_86 = arith.constant 64 : i32
      %mul3A_87 = arith.muli %add3A_85, %mul3A_86 : i32
      "tpu.region"() ({
        %run_scoped3A = tpu.sem_alloc : memref<!tpu.dma_semaphore, #tpu.memory_space<semaphore_mem>>
        %dma_start3A_107 = tpu.memref_slice %arg3[%mul3A_87] : memref<320000xi32, #tpu.memory_space<hbm>> -> memref<64xi32, #tpu.memory_space<hbm>>
        %dma_start3A_108 = tpu.memref_slice %arg3[%mul3A_87] : memref<320000xi32, #tpu.memory_space<hbm>> -> memref<64xi32, #tpu.memory_space<hbm>>
        tpu.enqueue_dma source(%dma_start3A_108 : memref<64xi32, #tpu.memory_space<hbm>>) target(%arg8 : memref<64xi32, #tpu.memory_space<vmem>>) target_semaphore(%run_scoped3A : memref<!tpu.dma_semaphore, #tpu.memory_space<semaphore_mem>>)
        %dma_wait3A_109 = tpu.memref_slice %arg3[%mul3A_87] : memref<320000xi32, #tpu.memory_space<hbm>> -> memref<64xi32, #tpu.memory_space<hbm>>
        %dma_wait3A_110 = tpu.memref_slice %arg3[%mul3A_87] : memref<320000xi32, #tpu.memory_space<hbm>> -> memref<64xi32, #tpu.memory_space<hbm>>
        tpu.wait_dma2 semaphore(%run_scoped3A : memref<!tpu.dma_semaphore, #tpu.memory_space<semaphore_mem>>) src(%dma_wait3A_110 : memref<64xi32, #tpu.memory_space<hbm>>) dst(%arg8 : memref<64xi32, #tpu.memory_space<vmem>>)
        tpu.yield
      }) : () -> ()
      "tpu.region"() ({
        %run_scoped3A = tpu.sem_alloc : memref<!tpu.dma_semaphore, #tpu.memory_space<semaphore_mem>>
        %dma_start3A_107 = tpu.memref_slice %arg4[%mul3A_87] : memref<320000xi32, #tpu.memory_space<hbm>> -> memref<64xi32, #tpu.memory_space<hbm>>
        %dma_start3A_108 = tpu.memref_slice %arg4[%mul3A_87] : memref<320000xi32, #tpu.memory_space<hbm>> -> memref<64xi32, #tpu.memory_space<hbm>>
        tpu.enqueue_dma source(%dma_start3A_108 : memref<64xi32, #tpu.memory_space<hbm>>) target(%arg11 : memref<64xi32, #tpu.memory_space<vmem>>) target_semaphore(%run_scoped3A : memref<!tpu.dma_semaphore, #tpu.memory_space<semaphore_mem>>)
        %dma_wait3A_109 = tpu.memref_slice %arg4[%mul3A_87] : memref<320000xi32, #tpu.memory_space<hbm>> -> memref<64xi32, #tpu.memory_space<hbm>>
        %dma_wait3A_110 = tpu.memref_slice %arg4[%mul3A_87] : memref<320000xi32, #tpu.memory_space<hbm>> -> memref<64xi32, #tpu.memory_space<hbm>>
        tpu.wait_dma2 semaphore(%run_scoped3A : memref<!tpu.dma_semaphore, #tpu.memory_space<semaphore_mem>>) src(%dma_wait3A_110 : memref<64xi32, #tpu.memory_space<hbm>>) dst(%arg11 : memref<64xi32, #tpu.memory_space<vmem>>)
        tpu.yield
      }) : () -> ()
      %dma_start3A_88 = arith.constant 0 : i32
      %dma_start3A_89 = tpu.memref_slice %arg2[%mul3A_87, %dma_start3A_88] : memref<320000x64xi32, #tpu.memory_space<hbm>> -> memref<64x64xi32, #tpu.memory_space<hbm>>
      %dma_start3A_90 = arith.constant 0 : i32
      %dma_start3A_91 = tpu.memref_slice %arg2[%mul3A_87, %dma_start3A_90] : memref<320000x64xi32, #tpu.memory_space<hbm>> -> memref<64x64xi32, #tpu.memory_space<hbm>>
      tpu.enqueue_dma source(%dma_start3A_91 : memref<64x64xi32, #tpu.memory_space<hbm>>) target(%arg14 : memref<64x64xi32, #tpu.memory_space<vmem>>) target_semaphore(%arg24 : memref<!tpu.dma_semaphore, #tpu.memory_space<semaphore_mem>>)
      %dma_start3A_92 = arith.constant 0 : i32
      %dma_start3A_93 = arith.constant 0 : i32
      %dma_start3A_94 = tpu.memref_slice %arg5[%dma_start3A_92, %dma_start3A_93] : memref<10000x128xf32, #tpu.memory_space<hbm>> -> memref<10000x128xf32, #tpu.memory_space<hbm>>
      tpu.enqueue_indirect_dma source(%dma_start3A_94 : memref<10000x128xf32, #tpu.memory_space<hbm>>) target(%arg17 : memref<64x128xf32, #tpu.memory_space<vmem>>) offsets(%arg11 : memref<64xi32, #tpu.memory_space<vmem>>) semaphore(%arg24 : memref<!tpu.dma_semaphore, #tpu.memory_space<semaphore_mem>>)
      %dma_wait3A_95 = arith.constant 0 : i32
      %dma_wait3A_96 = tpu.memref_slice %arg2[%mul3A_87, %dma_wait3A_95] : memref<320000x64xi32, #tpu.memory_space<hbm>> -> memref<64x64xi32, #tpu.memory_space<hbm>>
      %dma_wait3A_97 = arith.constant 0 : i32
      %dma_wait3A_98 = tpu.memref_slice %arg2[%mul3A_87, %dma_wait3A_97] : memref<320000x64xi32, #tpu.memory_space<hbm>> -> memref<64x64xi32, #tpu.memory_space<hbm>>
      tpu.wait_dma2 semaphore(%arg24 : memref<!tpu.dma_semaphore, #tpu.memory_space<semaphore_mem>>) src(%dma_wait3A_98 : memref<64x64xi32, #tpu.memory_space<hbm>>) dst(%arg14 : memref<64x64xi32, #tpu.memory_space<vmem>>)
      %dma_wait3A_99 = arith.constant 0 : i32
      %dma_wait3A_100 = arith.constant 0 : i32
      %dma_wait3A_101 = tpu.memref_slice %arg5[%dma_wait3A_99, %dma_wait3A_100] : memref<10000x128xf32, #tpu.memory_space<hbm>> -> memref<10000x128xf32, #tpu.memory_space<hbm>>
      tpu.wait_indirect_dma semaphore(%arg24 : memref<!tpu.dma_semaphore, #tpu.memory_space<semaphore_mem>>) src(%dma_wait3A_101 : memref<10000x128xf32, #tpu.memory_space<hbm>>) dst(%arg17 : memref<64x128xf32, #tpu.memory_space<vmem>>)
      %scan3A_102 = arith.constant 0 : i32
      %scan3A_103 = arith.constant 32 : i32
      %scan3A_104 = arith.addi %scan3A_102, %scan3A_103 : i32
      %scan3A_105 = arith.constant 1 : i32
      scf.for %scan3A_107 = %scan3A_102 to %scan3A_104 step %scan3A_105  : i32 {
        %mul3A_108 = arith.constant 2 : i32
        %mul3A_109 = arith.muli %scan3A_107, %mul3A_108 : i32
        %add3A_110 = arith.constant 0 : i32
        %add3A_111 = arith.addi %add3A_110, %mul3A_109 : i32
        %add3A_112 = arith.constant 0 : i32
        %add3A_113 = arith.addi %add3A_111, %add3A_112 : i32
        %get3A = arith.index_cast %add3A_113 : i32 to index
        %get3A_114 = arith.constant 0 : index
        %get3A_115 = tpu.vector_load %arg14[%get3A, %get3A_114] {strides = array<i32>} : memref<64x64xi32, #tpu.memory_space<vmem>>, vector<16xi32>,
        %shift_left3A = arith.constant 16 : i32
        %shift_left3A_116 = vector.broadcast %shift_left3A : i32 to vector<16xi32>
        %shift_left3A_117 = arith.shli %get3A_115, %shift_left3A_116 : vector<16xi32>
        %bitcast3A = vector.bitcast %shift_left3A_117 : vector<16xi32> to vector<16xf32>
        %and3A = vector.broadcast %cond3A_75 : i32 to vector<16xi32>
        %and3A_118 = arith.andi %get3A_115, %and3A : vector<16xi32>
        %bitcast3A_119 = vector.bitcast %and3A_118 : vector<16xi32> to vector<16xf32>
        %add3A_120 = arith.constant 0 : i32
        %add3A_121 = arith.addi %add3A_111, %add3A_120 : i32
        %add3A_122 = arith.constant 0 : i32
        %add3A_123 = arith.addi %add3A_111, %add3A_122 : i32
        %get3A_124 = arith.index_cast %add3A_121 : i32 to index
        %get3A_125 = arith.constant 0 : index
        %get3A_126 = tpu.vector_load %arg17[%get3A_124, %get3A_125] {strides = array<i32>} : memref<64x128xf32, #tpu.memory_space<vmem>>, vector<16xf32>,
        %mul3A_127 = arith.mulf %get3A_126, %bitcast3A : vector<16xf32>
        %swap3A = arith.index_cast %add3A_121 : i32 to index
        %swap3A_128 = arith.constant 0 : index
        %swap3A_129 = tpu.vector_load %arg17[%swap3A, %swap3A_128] {strides = array<i32>} : memref<64x128xf32, #tpu.memory_space<vmem>>, vector<16xf32>,
        tpu.vector_store %arg17[%swap3A, %swap3A_128], %mul3A_127 {strides = array<i32>} : memref<64x128xf32, #tpu.memory_space<vmem>>, vector<16xf32>,
        %get3A_130 = arith.index_cast %add3A_123 : i32 to index
        %get3A_131 = arith.constant 64 : index
        %get3A_132 = tpu.vector_load %arg17[%get3A_130, %get3A_131] {strides = array<i32>} : memref<64x128xf32, #tpu.memory_space<vmem>>, vector<16xf32>,
        %mul3A_133 = arith.mulf %get3A_132, %bitcast3A_119 : vector<16xf32>
        %swap3A_134 = arith.index_cast %add3A_123 : i32 to index
        %swap3A_135 = arith.constant 64 : index
        %swap3A_136 = tpu.vector_load %arg17[%swap3A_134, %swap3A_135] {strides = array<i32>} : memref<64x128xf32, #tpu.memory_space<vmem>>, vector<16xf32>,
        tpu.vector_store %arg17[%swap3A_134, %swap3A_135], %mul3A_133 {strides = array<i32>} : memref<64x128xf32, #tpu.memory_space<vmem>>, vector<16xf32>,
        %add3A_137 = arith.constant 0 : i32
        %add3A_138 = arith.addi %add3A_111, %add3A_137 : i32
        %get3A_139 = arith.index_cast %add3A_138 : i32 to index
        %get3A_140 = arith.constant 16 : index
        %get3A_141 = tpu.vector_load %arg14[%get3A_139, %get3A_140] {strides = array<i32>} : memref<64x64xi32, #tpu.memory_space<vmem>>, vector<16xi32>,
        %shift_left3A_142 = arith.constant 16 : i32
        %shift_left3A_143 = vector.broadcast %shift_left3A_142 : i32 to vector<16xi32>
        %shift_left3A_144 = arith.shli %get3A_141, %shift_left3A_143 : vector<16xi32>
        %bitcast3A_145 = vector.bitcast %shift_left3A_144 : vector<16xi32> to vector<16xf32>
        %and3A_146 = vector.broadcast %cond3A_75 : i32 to vector<16xi32>
        %and3A_147 = arith.andi %get3A_141, %and3A_146 : vector<16xi32>
        %bitcast3A_148 = vector.bitcast %and3A_147 : vector<16xi32> to vector<16xf32>
        %add3A_149 = arith.constant 0 : i32
        %add3A_150 = arith.addi %add3A_111, %add3A_149 : i32
        %add3A_151 = arith.constant 0 : i32
        %add3A_152 = arith.addi %add3A_111, %add3A_151 : i32
        %get3A_153 = arith.index_cast %add3A_150 : i32 to index
        %get3A_154 = arith.constant 16 : index
        %get3A_155 = tpu.vector_load %arg17[%get3A_153, %get3A_154] {strides = array<i32>} : memref<64x128xf32, #tpu.memory_space<vmem>>, vector<16xf32>,
        %mul3A_156 = arith.mulf %get3A_155, %bitcast3A_145 : vector<16xf32>
        %swap3A_157 = arith.index_cast %add3A_150 : i32 to index
        %swap3A_158 = arith.constant 16 : index
        %swap3A_159 = tpu.vector_load %arg17[%swap3A_157, %swap3A_158] {strides = array<i32>} : memref<64x128xf32, #tpu.memory_space<vmem>>, vector<16xf32>,
        tpu.vector_store %arg17[%swap3A_157, %swap3A_158], %mul3A_156 {strides = array<i32>} : memref<64x128xf32, #tpu.memory_space<vmem>>, vector<16xf32>,
        %get3A_160 = arith.index_cast %add3A_152 : i32 to index
        %get3A_161 = arith.constant 80 : index
        %get3A_162 = tpu.vector_load %arg17[%get3A_160, %get3A_161] {strides = array<i32>} : memref<64x128xf32, #tpu.memory_space<vmem>>, vector<16xf32>,
        %mul3A_163 = arith.mulf %get3A_162, %bitcast3A_148 : vector<16xf32>
        %swap3A_164 = arith.index_cast %add3A_152 : i32 to index
        %swap3A_165 = arith.constant 80 : index
        %swap3A_166 = tpu.vector_load %arg17[%swap3A_164, %swap3A_165] {strides = array<i32>} : memref<64x128xf32, #tpu.memory_space<vmem>>, vector<16xf32>,
        tpu.vector_store %arg17[%swap3A_164, %swap3A_165], %mul3A_163 {strides = array<i32>} : memref<64x128xf32, #tpu.memory_space<vmem>>, vector<16xf32>,
        %add3A_167 = arith.constant 0 : i32
        %add3A_168 = arith.addi %add3A_111, %add3A_167 : i32
        %get3A_169 = arith.index_cast %add3A_168 : i32 to index
        %get3A_170 = arith.constant 32 : index
        %get3A_171 = tpu.vector_load %arg14[%get3A_169, %get3A_170] {strides = array<i32>} : memref<64x64xi32, #tpu.memory_space<vmem>>, vector<16xi32>,
        %shift_left3A_172 = arith.constant 16 : i32
        %shift_left3A_173 = vector.broadcast %shift_left3A_172 : i32 to vector<16xi32>
        %shift_left3A_174 = arith.shli %get3A_171, %shift_left3A_173 : vector<16xi32>
        %bitcast3A_175 = vector.bitcast %shift_left3A_174 : vector<16xi32> to vector<16xf32>
        %and3A_176 = vector.broadcast %cond3A_75 : i32 to vector<16xi32>
        %and3A_177 = arith.andi %get3A_171, %and3A_176 : vector<16xi32>
        %bitcast3A_178 = vector.bitcast %and3A_177 : vector<16xi32> to vector<16xf32>
        %add3A_179 = arith.constant 0 : i32
        %add3A_180 = arith.addi %add3A_111, %add3A_179 : i32
        %add3A_181 = arith.constant 0 : i32
        %add3A_182 = arith.addi %add3A_111, %add3A_181 : i32
        %get3A_183 = arith.index_cast %add3A_180 : i32 to index
        %get3A_184 = arith.constant 32 : index
        %get3A_185 = tpu.vector_load %arg17[%get3A_183, %get3A_184] {strides = array<i32>} : memref<64x128xf32, #tpu.memory_space<vmem>>, vector<16xf32>,
        %mul3A_186 = arith.mulf %get3A_185, %bitcast3A_175 : vector<16xf32>
        %swap3A_187 = arith.index_cast %add3A_180 : i32 to index
        %swap3A_188 = arith.constant 32 : index
        %swap3A_189 = tpu.vector_load %arg17[%swap3A_187, %swap3A_188] {strides = array<i32>} : memref<64x128xf32, #tpu.memory_space<vmem>>, vector<16xf32>,
        tpu.vector_store %arg17[%swap3A_187, %swap3A_188], %mul3A_186 {strides = array<i32>} : memref<64x128xf32, #tpu.memory_space<vmem>>, vector<16xf32>,
        %get3A_190 = arith.index_cast %add3A_182 : i32 to index
        %get3A_191 = arith.constant 96 : index
        %get3A_192 = tpu.vector_load %arg17[%get3A_190, %get3A_191] {strides = array<i32>} : memref<64x128xf32, #tpu.memory_space<vmem>>, vector<16xf32>,
        %mul3A_193 = arith.mulf %get3A_192, %bitcast3A_178 : vector<16xf32>
        %swap3A_194 = arith.index_cast %add3A_182 : i32 to index
        %swap3A_195 = arith.constant 96 : index
        %swap3A_196 = tpu.vector_load %arg17[%swap3A_194, %swap3A_195] {strides = array<i32>} : memref<64x128xf32, #tpu.memory_space<vmem>>, vector<16xf32>,
        tpu.vector_store %arg17[%swap3A_194, %swap3A_195], %mul3A_193 {strides = array<i32>} : memref<64x128xf32, #tpu.memory_space<vmem>>, vector<16xf32>,
        %add3A_197 = arith.constant 0 : i32
        %add3A_198 = arith.addi %add3A_111, %add3A_197 : i32
        %get3A_199 = arith.index_cast %add3A_198 : i32 to index
        %get3A_200 = arith.constant 48 : index
        %get3A_201 = tpu.vector_load %arg14[%get3A_199, %get3A_200] {strides = array<i32>} : memref<64x64xi32, #tpu.memory_space<vmem>>, vector<16xi32>,
        %shift_left3A_202 = arith.constant 16 : i32
        %shift_left3A_203 = vector.broadcast %shift_left3A_202 : i32 to vector<16xi32>
        %shift_left3A_204 = arith.shli %get3A_201, %shift_left3A_203 : vector<16xi32>
        %bitcast3A_205 = vector.bitcast %shift_left3A_204 : vector<16xi32> to vector<16xf32>
        %and3A_206 = vector.broadcast %cond3A_75 : i32 to vector<16xi32>
        %and3A_207 = arith.andi %get3A_201, %and3A_206 : vector<16xi32>
        %bitcast3A_208 = vector.bitcast %and3A_207 : vector<16xi32> to vector<16xf32>
        %add3A_209 = arith.constant 0 : i32
        %add3A_210 = arith.addi %add3A_111, %add3A_209 : i32
        %add3A_211 = arith.constant 0 : i32
        %add3A_212 = arith.addi %add3A_111, %add3A_211 : i32
        %get3A_213 = arith.index_cast %add3A_210 : i32 to index
        %get3A_214 = arith.constant 48 : index
        %get3A_215 = tpu.vector_load %arg17[%get3A_213, %get3A_214] {strides = array<i32>} : memref<64x128xf32, #tpu.memory_space<vmem>>, vector<16xf32>,
        %mul3A_216 = arith.mulf %get3A_215, %bitcast3A_205 : vector<16xf32>
        %swap3A_217 = arith.index_cast %add3A_210 : i32 to index
        %swap3A_218 = arith.constant 48 : index
        %swap3A_219 = tpu.vector_load %arg17[%swap3A_217, %swap3A_218] {strides = array<i32>} : memref<64x128xf32, #tpu.memory_space<vmem>>, vector<16xf32>,
        tpu.vector_store %arg17[%swap3A_217, %swap3A_218], %mul3A_216 {strides = array<i32>} : memref<64x128xf32, #tpu.memory_space<vmem>>, vector<16xf32>,
        %get3A_220 = arith.index_cast %add3A_212 : i32 to index
        %get3A_221 = arith.constant 112 : index
        %get3A_222 = tpu.vector_load %arg17[%get3A_220, %get3A_221] {strides = array<i32>} : memref<64x128xf32, #tpu.memory_space<vmem>>, vector<16xf32>,
        %mul3A_223 = arith.mulf %get3A_222, %bitcast3A_208 : vector<16xf32>
        %swap3A_224 = arith.index_cast %add3A_212 : i32 to index
        %swap3A_225 = arith.constant 112 : index
        %swap3A_226 = tpu.vector_load %arg17[%swap3A_224, %swap3A_225] {strides = array<i32>} : memref<64x128xf32, #tpu.memory_space<vmem>>, vector<16xf32>,
        tpu.vector_store %arg17[%swap3A_224, %swap3A_225], %mul3A_223 {strides = array<i32>} : memref<64x128xf32, #tpu.memory_space<vmem>>, vector<16xf32>,
        %add3A_227 = arith.constant 1 : i32
        %add3A_228 = arith.addi %add3A_111, %add3A_227 : i32
        %get3A_229 = arith.index_cast %add3A_228 : i32 to index
        %get3A_230 = arith.constant 0 : index
        %get3A_231 = tpu.vector_load %arg14[%get3A_229, %get3A_230] {strides = array<i32>} : memref<64x64xi32, #tpu.memory_space<vmem>>, vector<16xi32>,
        %shift_left3A_232 = arith.constant 16 : i32
        %shift_left3A_233 = vector.broadcast %shift_left3A_232 : i32 to vector<16xi32>
        %shift_left3A_234 = arith.shli %get3A_231, %shift_left3A_233 : vector<16xi32>
        %bitcast3A_235 = vector.bitcast %shift_left3A_234 : vector<16xi32> to vector<16xf32>
        %and3A_236 = vector.broadcast %cond3A_75 : i32 to vector<16xi32>
        %and3A_237 = arith.andi %get3A_231, %and3A_236 : vector<16xi32>
        %bitcast3A_238 = vector.bitcast %and3A_237 : vector<16xi32> to vector<16xf32>
        %add3A_239 = arith.constant 1 : i32
        %add3A_240 = arith.addi %add3A_111, %add3A_239 : i32
        %add3A_241 = arith.constant 1 : i32
        %add3A_242 = arith.addi %add3A_111, %add3A_241 : i32
        %get3A_243 = arith.index_cast %add3A_240 : i32 to index
        %get3A_244 = arith.constant 0 : index
        %get3A_245 = tpu.vector_load %arg17[%get3A_243, %get3A_244] {strides = array<i32>} : memref<64x128xf32, #tpu.memory_space<vmem>>, vector<16xf32>,
        %mul3A_246 = arith.mulf %get3A_245, %bitcast3A_235 : vector<16xf32>
        %swap3A_247 = arith.index_cast %add3A_240 : i32 to index
        %swap3A_248 = arith.constant 0 : index
        %swap3A_249 = tpu.vector_load %arg17[%swap3A_247, %swap3A_248] {strides = array<i32>} : memref<64x128xf32, #tpu.memory_space<vmem>>, vector<16xf32>,
        tpu.vector_store %arg17[%swap3A_247, %swap3A_248], %mul3A_246 {strides = array<i32>} : memref<64x128xf32, #tpu.memory_space<vmem>>, vector<16xf32>,
        %get3A_250 = arith.index_cast %add3A_242 : i32 to index
        %get3A_251 = arith.constant 64 : index
        %get3A_252 = tpu.vector_load %arg17[%get3A_250, %get3A_251] {strides = array<i32>} : memref<64x128xf32, #tpu.memory_space<vmem>>, vector<16xf32>,
        %mul3A_253 = arith.mulf %get3A_252, %bitcast3A_238 : vector<16xf32>
        %swap3A_254 = arith.index_cast %add3A_242 : i32 to index
        %swap3A_255 = arith.constant 64 : index
        %swap3A_256 = tpu.vector_load %arg17[%swap3A_254, %swap3A_255] {strides = array<i32>} : memref<64x128xf32, #tpu.memory_space<vmem>>, vector<16xf32>,
        tpu.vector_store %arg17[%swap3A_254, %swap3A_255], %mul3A_253 {strides = array<i32>} : memref<64x128xf32, #tpu.memory_space<vmem>>, vector<16xf32>,
        %add3A_257 = arith.constant 1 : i32
        %add3A_258 = arith.addi %add3A_111, %add3A_257 : i32
        %get3A_259 = arith.index_cast %add3A_258 : i32 to index
        %get3A_260 = arith.constant 16 : index
        %get3A_261 = tpu.vector_load %arg14[%get3A_259, %get3A_260] {strides = array<i32>} : memref<64x64xi32, #tpu.memory_space<vmem>>, vector<16xi32>,
        %shift_left3A_262 = arith.constant 16 : i32
        %shift_left3A_263 = vector.broadcast %shift_left3A_262 : i32 to vector<16xi32>
        %shift_left3A_264 = arith.shli %get3A_261, %shift_left3A_263 : vector<16xi32>
        %bitcast3A_265 = vector.bitcast %shift_left3A_264 : vector<16xi32> to vector<16xf32>
        %and3A_266 = vector.broadcast %cond3A_75 : i32 to vector<16xi32>
        %and3A_267 = arith.andi %get3A_261, %and3A_266 : vector<16xi32>
        %bitcast3A_268 = vector.bitcast %and3A_267 : vector<16xi32> to vector<16xf32>
        %add3A_269 = arith.constant 1 : i32
        %add3A_270 = arith.addi %add3A_111, %add3A_269 : i32
        %add3A_271 = arith.constant 1 : i32
        %add3A_272 = arith.addi %add3A_111, %add3A_271 : i32
        %get3A_273 = arith.index_cast %add3A_270 : i32 to index
        %get3A_274 = arith.constant 16 : index
        %get3A_275 = tpu.vector_load %arg17[%get3A_273, %get3A_274] {strides = array<i32>} : memref<64x128xf32, #tpu.memory_space<vmem>>, vector<16xf32>,
        %mul3A_276 = arith.mulf %get3A_275, %bitcast3A_265 : vector<16xf32>
        %swap3A_277 = arith.index_cast %add3A_270 : i32 to index
        %swap3A_278 = arith.constant 16 : index
        %swap3A_279 = tpu.vector_load %arg17[%swap3A_277, %swap3A_278] {strides = array<i32>} : memref<64x128xf32, #tpu.memory_space<vmem>>, vector<16xf32>,
        tpu.vector_store %arg17[%swap3A_277, %swap3A_278], %mul3A_276 {strides = array<i32>} : memref<64x128xf32, #tpu.memory_space<vmem>>, vector<16xf32>,
        %get3A_280 = arith.index_cast %add3A_272 : i32 to index
        %get3A_281 = arith.constant 80 : index
        %get3A_282 = tpu.vector_load %arg17[%get3A_280, %get3A_281] {strides = array<i32>} : memref<64x128xf32, #tpu.memory_space<vmem>>, vector<16xf32>,
        %mul3A_283 = arith.mulf %get3A_282, %bitcast3A_268 : vector<16xf32>
        %swap3A_284 = arith.index_cast %add3A_272 : i32 to index
        %swap3A_285 = arith.constant 80 : index
        %swap3A_286 = tpu.vector_load %arg17[%swap3A_284, %swap3A_285] {strides = array<i32>} : memref<64x128xf32, #tpu.memory_space<vmem>>, vector<16xf32>,
        tpu.vector_store %arg17[%swap3A_284, %swap3A_285], %mul3A_283 {strides = array<i32>} : memref<64x128xf32, #tpu.memory_space<vmem>>, vector<16xf32>,
        %add3A_287 = arith.constant 1 : i32
        %add3A_288 = arith.addi %add3A_111, %add3A_287 : i32
        %get3A_289 = arith.index_cast %add3A_288 : i32 to index
        %get3A_290 = arith.constant 32 : index
        %get3A_291 = tpu.vector_load %arg14[%get3A_289, %get3A_290] {strides = array<i32>} : memref<64x64xi32, #tpu.memory_space<vmem>>, vector<16xi32>,
        %shift_left3A_292 = arith.constant 16 : i32
        %shift_left3A_293 = vector.broadcast %shift_left3A_292 : i32 to vector<16xi32>
        %shift_left3A_294 = arith.shli %get3A_291, %shift_left3A_293 : vector<16xi32>
        %bitcast3A_295 = vector.bitcast %shift_left3A_294 : vector<16xi32> to vector<16xf32>
        %and3A_296 = vector.broadcast %cond3A_75 : i32 to vector<16xi32>
        %and3A_297 = arith.andi %get3A_291, %and3A_296 : vector<16xi32>
        %bitcast3A_298 = vector.bitcast %and3A_297 : vector<16xi32> to vector<16xf32>
        %add3A_299 = arith.constant 1 : i32
        %add3A_300 = arith.addi %add3A_111, %add3A_299 : i32
        %add3A_301 = arith.constant 1 : i32
        %add3A_302 = arith.addi %add3A_111, %add3A_301 : i32
        %get3A_303 = arith.index_cast %add3A_300 : i32 to index
        %get3A_304 = arith.constant 32 : index
        %get3A_305 = tpu.vector_load %arg17[%get3A_303, %get3A_304] {strides = array<i32>} : memref<64x128xf32, #tpu.memory_space<vmem>>, vector<16xf32>,
        %mul3A_306 = arith.mulf %get3A_305, %bitcast3A_295 : vector<16xf32>
        %swap3A_307 = arith.index_cast %add3A_300 : i32 to index
        %swap3A_308 = arith.constant 32 : index
        %swap3A_309 = tpu.vector_load %arg17[%swap3A_307, %swap3A_308] {strides = array<i32>} : memref<64x128xf32, #tpu.memory_space<vmem>>, vector<16xf32>,
        tpu.vector_store %arg17[%swap3A_307, %swap3A_308], %mul3A_306 {strides = array<i32>} : memref<64x128xf32, #tpu.memory_space<vmem>>, vector<16xf32>,
        %get3A_310 = arith.index_cast %add3A_302 : i32 to index
        %get3A_311 = arith.constant 96 : index
        %get3A_312 = tpu.vector_load %arg17[%get3A_310, %get3A_311] {strides = array<i32>} : memref<64x128xf32, #tpu.memory_space<vmem>>, vector<16xf32>,
        %mul3A_313 = arith.mulf %get3A_312, %bitcast3A_298 : vector<16xf32>
        %swap3A_314 = arith.index_cast %add3A_302 : i32 to index
        %swap3A_315 = arith.constant 96 : index
        %swap3A_316 = tpu.vector_load %arg17[%swap3A_314, %swap3A_315] {strides = array<i32>} : memref<64x128xf32, #tpu.memory_space<vmem>>, vector<16xf32>,
        tpu.vector_store %arg17[%swap3A_314, %swap3A_315], %mul3A_313 {strides = array<i32>} : memref<64x128xf32, #tpu.memory_space<vmem>>, vector<16xf32>,
        %add3A_317 = arith.constant 1 : i32
        %add3A_318 = arith.addi %add3A_111, %add3A_317 : i32
        %get3A_319 = arith.index_cast %add3A_318 : i32 to index
        %get3A_320 = arith.constant 48 : index
        %get3A_321 = tpu.vector_load %arg14[%get3A_319, %get3A_320] {strides = array<i32>} : memref<64x64xi32, #tpu.memory_space<vmem>>, vector<16xi32>,
        %shift_left3A_322 = arith.constant 16 : i32
        %shift_left3A_323 = vector.broadcast %shift_left3A_322 : i32 to vector<16xi32>
        %shift_left3A_324 = arith.shli %get3A_321, %shift_left3A_323 : vector<16xi32>
        %bitcast3A_325 = vector.bitcast %shift_left3A_324 : vector<16xi32> to vector<16xf32>
        %and3A_326 = vector.broadcast %cond3A_75 : i32 to vector<16xi32>
        %and3A_327 = arith.andi %get3A_321, %and3A_326 : vector<16xi32>
        %bitcast3A_328 = vector.bitcast %and3A_327 : vector<16xi32> to vector<16xf32>
        %add3A_329 = arith.constant 1 : i32
        %add3A_330 = arith.addi %add3A_111, %add3A_329 : i32
        %add3A_331 = arith.constant 1 : i32
        %add3A_332 = arith.addi %add3A_111, %add3A_331 : i32
        %get3A_333 = arith.index_cast %add3A_330 : i32 to index
        %get3A_334 = arith.constant 48 : index
        %get3A_335 = tpu.vector_load %arg17[%get3A_333, %get3A_334] {strides = array<i32>} : memref<64x128xf32, #tpu.memory_space<vmem>>, vector<16xf32>,
        %mul3A_336 = arith.mulf %get3A_335, %bitcast3A_325 : vector<16xf32>
        %swap3A_337 = arith.index_cast %add3A_330 : i32 to index
        %swap3A_338 = arith.constant 48 : index
        %swap3A_339 = tpu.vector_load %arg17[%swap3A_337, %swap3A_338] {strides = array<i32>} : memref<64x128xf32, #tpu.memory_space<vmem>>, vector<16xf32>,
        tpu.vector_store %arg17[%swap3A_337, %swap3A_338], %mul3A_336 {strides = array<i32>} : memref<64x128xf32, #tpu.memory_space<vmem>>, vector<16xf32>,
        %get3A_340 = arith.index_cast %add3A_332 : i32 to index
        %get3A_341 = arith.constant 112 : index
        %get3A_342 = tpu.vector_load %arg17[%get3A_340, %get3A_341] {strides = array<i32>} : memref<64x128xf32, #tpu.memory_space<vmem>>, vector<16xf32>,
        %mul3A_343 = arith.mulf %get3A_342, %bitcast3A_328 : vector<16xf32>
        %swap3A_344 = arith.index_cast %add3A_332 : i32 to index
        %swap3A_345 = arith.constant 112 : index
        %swap3A_346 = tpu.vector_load %arg17[%swap3A_344, %swap3A_345] {strides = array<i32>} : memref<64x128xf32, #tpu.memory_space<vmem>>, vector<16xf32>,
        tpu.vector_store %arg17[%swap3A_344, %swap3A_345], %mul3A_343 {strides = array<i32>} : memref<64x128xf32, #tpu.memory_space<vmem>>, vector<16xf32>,
      }
      %scan3A_106 = arith.constant 32 : i32
      "tpu.region"() ({
        %run_scoped3A = tpu.sem_alloc : memref<!tpu.dma_semaphore, #tpu.memory_space<semaphore_mem>>
        %dma_start3A_107 = arith.constant 0 : i32
        %dma_start3A_108 = arith.constant 0 : i32
        %dma_start3A_109 = tpu.memref_slice %arg20[%dma_start3A_107, %dma_start3A_108] : memref<10000x128xf32, #tpu.memory_space<vmem_shared>> -> memref<10000x128xf32, #tpu.memory_space<vmem_shared>>
        tpu.enqueue_indirect_dma source(%arg17 : memref<64x128xf32, #tpu.memory_space<vmem>>) target(%dma_start3A_109 : memref<10000x128xf32, #tpu.memory_space<vmem_shared>>) offsets(%arg8 : memref<64xi32, #tpu.memory_space<vmem>>) semaphore(%run_scoped3A : memref<!tpu.dma_semaphore, #tpu.memory_space<semaphore_mem>>) {add = true}
        %dma_wait3A_110 = arith.constant 0 : i32
        %dma_wait3A_111 = arith.constant 0 : i32
        %dma_wait3A_112 = tpu.memref_slice %arg20[%dma_wait3A_110, %dma_wait3A_111] : memref<10000x128xf32, #tpu.memory_space<vmem_shared>> -> memref<10000x128xf32, #tpu.memory_space<vmem_shared>>
        tpu.wait_indirect_dma semaphore(%run_scoped3A : memref<!tpu.dma_semaphore, #tpu.memory_space<semaphore_mem>>) src(%arg17 : memref<64x128xf32, #tpu.memory_space<vmem>>) dst(%dma_wait3A_112 : memref<10000x128xf32, #tpu.memory_space<vmem_shared>>)
        tpu.yield
      }) : () -> ()
    } else {
    }
    %barrier3A_78 = arith.constant 0 : index
    tpu.barrier barrier_id(%barrier3A_78)
    "tpu.region"() ({
      %run_scoped3A = tpu.sem_alloc : memref<!tpu.dma_semaphore, #tpu.memory_space<semaphore_mem>>
      %dma_start3A_84 = arith.constant 0 : i32
      %dma_start3A_85 = tpu.memref_slice %arg7[%arg0, %mul3A_2, %dma_start3A_84] : memref<2x10000x128xf32, #tpu.memory_space<hbm>> -> memref<1x624x128xf32, #tpu.memory_space<hbm>>
      %dma_start3A_86 = tpu.memref_squeeze %dma_start3A_85 : memref<1x624x128xf32, #tpu.memory_space<hbm>> -> memref<624x128xf32, #tpu.memory_space<hbm>>
      %dma_start3A_87 = arith.constant 0 : i32
      %dma_start3A_88 = tpu.memref_slice %arg20[%mul3A_2, %dma_start3A_87] : memref<10000x128xf32, #tpu.memory_space<vmem_shared>> -> memref<624x128xf32, #tpu.memory_space<vmem_shared>>
      tpu.enqueue_dma source(%dma_start3A_88 : memref<624x128xf32, #tpu.memory_space<vmem_shared>>) target(%dma_start3A_86 : memref<624x128xf32, #tpu.memory_space<hbm>>) target_semaphore(%run_scoped3A : memref<!tpu.dma_semaphore, #tpu.memory_space<semaphore_mem>>)
      %dma_wait3A_89 = arith.constant 0 : i32
      %dma_wait3A_90 = tpu.memref_slice %arg7[%arg0, %mul3A_2, %dma_wait3A_89] : memref<2x10000x128xf32, #tpu.memory_space<hbm>> -> memref<1x624x128xf32, #tpu.memory_space<hbm>>
      %dma_wait3A_91 = tpu.memref_squeeze %dma_wait3A_90 : memref<1x624x128xf32, #tpu.memory_space<hbm>> -> memref<624x128xf32, #tpu.memory_space<hbm>>
      %dma_wait3A_92 = arith.constant 0 : i32
      %dma_wait3A_93 = tpu.memref_slice %arg20[%mul3A_2, %dma_wait3A_92] : memref<10000x128xf32, #tpu.memory_space<vmem_shared>> -> memref<624x128xf32, #tpu.memory_space<vmem_shared>>
      tpu.wait_dma2 semaphore(%run_scoped3A : memref<!tpu.dma_semaphore, #tpu.memory_space<semaphore_mem>>) src(%dma_wait3A_93 : memref<624x128xf32, #tpu.memory_space<vmem_shared>>) dst(%dma_wait3A_91 : memref<624x128xf32, #tpu.memory_space<hbm>>)
      tpu.yield
    }) : () -> ()
    %eq3A_79 = arith.constant 0 : i32
    %eq3A_80 = arith.cmpi eq, %arg1, %eq3A_79 : i32
    %convert_element_type3A_81 = arith.extui %eq3A_80 : i1 to i32
    %cond3A_82 = arith.constant 0 : i32
    %cond3A_83 = arith.cmpi ne, %convert_element_type3A_81, %cond3A_82 : i32
    scf.if %cond3A_83 {
      "tpu.region"() ({
        %run_scoped3A = tpu.sem_alloc : memref<!tpu.dma_semaphore, #tpu.memory_space<semaphore_mem>>
        %dma_start3A_84 = arith.constant 9984 : i32
        %dma_start3A_85 = arith.constant 0 : i32
        %dma_start3A_86 = tpu.memref_slice %arg7[%arg0, %dma_start3A_84, %dma_start3A_85] : memref<2x10000x128xf32, #tpu.memory_space<hbm>> -> memref<1x16x128xf32, #tpu.memory_space<hbm>>
        %dma_start3A_87 = tpu.memref_squeeze %dma_start3A_86 : memref<1x16x128xf32, #tpu.memory_space<hbm>> -> memref<16x128xf32, #tpu.memory_space<hbm>>
        %dma_start3A_88 = arith.constant 9984 : i32
        %dma_start3A_89 = arith.constant 0 : i32
        %dma_start3A_90 = tpu.memref_slice %arg20[%dma_start3A_88, %dma_start3A_89] : memref<10000x128xf32, #tpu.memory_space<vmem_shared>> -> memref<16x128xf32, #tpu.memory_space<vmem_shared>>
        tpu.enqueue_dma source(%dma_start3A_90 : memref<16x128xf32, #tpu.memory_space<vmem_shared>>) target(%dma_start3A_87 : memref<16x128xf32, #tpu.memory_space<hbm>>) target_semaphore(%run_scoped3A : memref<!tpu.dma_semaphore, #tpu.memory_space<semaphore_mem>>)
        %dma_wait3A_91 = arith.constant 9984 : i32
        %dma_wait3A_92 = arith.constant 0 : i32
        %dma_wait3A_93 = tpu.memref_slice %arg7[%arg0, %dma_wait3A_91, %dma_wait3A_92] : memref<2x10000x128xf32, #tpu.memory_space<hbm>> -> memref<1x16x128xf32, #tpu.memory_space<hbm>>
        %dma_wait3A_94 = tpu.memref_squeeze %dma_wait3A_93 : memref<1x16x128xf32, #tpu.memory_space<hbm>> -> memref<16x128xf32, #tpu.memory_space<hbm>>
        %dma_wait3A_95 = arith.constant 9984 : i32
        %dma_wait3A_96 = arith.constant 0 : i32
        %dma_wait3A_97 = tpu.memref_slice %arg20[%dma_wait3A_95, %dma_wait3A_96] : memref<10000x128xf32, #tpu.memory_space<vmem_shared>> -> memref<16x128xf32, #tpu.memory_space<vmem_shared>>
        tpu.wait_dma2 semaphore(%run_scoped3A : memref<!tpu.dma_semaphore, #tpu.memory_space<semaphore_mem>>) src(%dma_wait3A_97 : memref<16x128xf32, #tpu.memory_space<vmem_shared>>) dst(%dma_wait3A_94 : memref<16x128xf32, #tpu.memory_space<hbm>>)
        tpu.yield
      }) : () -> ()
    } else {
    }
    return
  }
}

module attributes {stable_mosaic.version = 14 : i64} {
  func.func @_edge_mlp_block(%arg0: i32, %arg1: memref<6400x128xbf16, #tpu.memory_space<vmem>>, %arg2: memref<128x128xbf16, #tpu.memory_space<vmem>>, %arg3: memref<1x128xf32, #tpu.memory_space<vmem>>, %arg4: memref<128x128xbf16, #tpu.memory_space<vmem>>, %arg5: memref<1x128xf32, #tpu.memory_space<vmem>>, %arg6: memref<6400x64xi32, #tpu.memory_space<vmem>>) attributes {dimension_semantics = [#tpu.dimension_semantics<arbitrary>], iteration_bounds = array<i64: 50>, scalar_prefetch = 0 : i64, scratch_operands = 0 : i64, tpu.core_type = #tpu.core_type<tc>, window_params = [{transform_indices = @transform_0, window_bounds = array<i64: 6400, 128>}, {pipeline_mode = #tpu.pipeline_mode<synchronous>, transform_indices = @transform_1, window_bounds = array<i64: 128, 128>}, {pipeline_mode = #tpu.pipeline_mode<synchronous>, transform_indices = @transform_2, window_bounds = array<i64: 1, 128>}, {pipeline_mode = #tpu.pipeline_mode<synchronous>, transform_indices = @transform_3, window_bounds = array<i64: 128, 128>}, {pipeline_mode = #tpu.pipeline_mode<synchronous>, transform_indices = @transform_4, window_bounds = array<i64: 1, 128>}, {transform_indices = @transform_5, window_bounds = array<i64: 6400, 64>}]} {
    %get3A = arith.constant 0 : index
    %get3A_0 = arith.constant 0 : index
    %get3A_1 = vector.load %arg1[%get3A, %get3A_0] : memref<6400x128xbf16, #tpu.memory_space<vmem>>, vector<6400x128xbf16>
    %get3A_2 = arith.constant 0 : index
    %get3A_3 = arith.constant 0 : index
    %get3A_4 = vector.load %arg2[%get3A_2, %get3A_3] : memref<128x128xbf16, #tpu.memory_space<vmem>>, vector<128x128xbf16>
    %dot_general3A = arith.constant dense<0.000000e+00> : vector<6400x128xf32>
    %dot_general3A_5 = tpu.matmul %get3A_1, %get3A_4, %dot_general3A {dimension_numbers = #tpu.dot_dimension_numbers<[1], [0], [0], [1], [0, 0, 1, 1], [], []>, transpose_lhs_hint = false} : vector<6400x128xbf16>, vector<128x128xbf16>, vector<6400x128xf32> -> vector<6400x128xf32>
    %get3A_6 = arith.constant 0 : index
    %get3A_7 = arith.constant 0 : index
    %get3A_8 = vector.load %arg3[%get3A_6, %get3A_7] : memref<1x128xf32, #tpu.memory_space<vmem>>, vector<1x128xf32>
    %add3A = vector.broadcast %get3A_8 : vector<1x128xf32> to vector<6400x128xf32>
    %add3A_9 = arith.addf %dot_general3A_5, %add3A : vector<6400x128xf32>
    %max3A = arith.constant 0.000000e+00 : f32
    %max3A_10 = vector.broadcast %max3A : f32 to vector<6400x128xf32>
    %max3A_11 = arith.maximumf %add3A_9, %max3A_10 : vector<6400x128xf32>
    %convert_element_type3A = arith.truncf %max3A_11 : vector<6400x128xf32> to vector<6400x128xbf16>
    %get3A_12 = arith.constant 0 : index
    %get3A_13 = arith.constant 0 : index
    %get3A_14 = vector.load %arg4[%get3A_12, %get3A_13] : memref<128x128xbf16, #tpu.memory_space<vmem>>, vector<128x128xbf16>
    %dot_general3A_15 = arith.constant dense<0.000000e+00> : vector<6400x128xf32>
    %dot_general3A_16 = tpu.matmul %convert_element_type3A, %get3A_14, %dot_general3A_15 {dimension_numbers = #tpu.dot_dimension_numbers<[1], [0], [0], [1], [0, 0, 1, 1], [], []>, transpose_lhs_hint = false} : vector<6400x128xbf16>, vector<128x128xbf16>, vector<6400x128xf32> -> vector<6400x128xf32>
    %get3A_17 = arith.constant 0 : index
    %get3A_18 = arith.constant 0 : index
    %get3A_19 = vector.load %arg5[%get3A_17, %get3A_18] : memref<1x128xf32, #tpu.memory_space<vmem>>, vector<1x128xf32>
    %add3A_20 = vector.broadcast %get3A_19 : vector<1x128xf32> to vector<6400x128xf32>
    %add3A_21 = arith.addf %dot_general3A_16, %add3A_20 : vector<6400x128xf32>
    %slice3A = vector.extract_strided_slice %add3A_21 {offsets = [0, 0], sizes = [6400, 64], strides = [1, 1]} : vector<6400x128xf32> to vector<6400x64xf32>
    %convert_element_type3A_22 = arith.truncf %slice3A : vector<6400x64xf32> to vector<6400x64xbf16>
    %convert_element_type3A_23 = arith.extf %convert_element_type3A_22 : vector<6400x64xbf16> to vector<6400x64xf32>
    %bitcast_convert_type3A = tpu.bitcast %convert_element_type3A_23 : vector<6400x64xf32> -> vector<6400x64xi32>
    %slice3A_24 = vector.extract_strided_slice %add3A_21 {offsets = [0, 64], sizes = [6400, 64], strides = [1, 1]} : vector<6400x128xf32> to vector<6400x64xf32>
    %convert_element_type3A_25 = arith.truncf %slice3A_24 : vector<6400x64xf32> to vector<6400x64xbf16>
    %convert_element_type3A_26 = arith.extf %convert_element_type3A_25 : vector<6400x64xbf16> to vector<6400x64xf32>
    %bitcast_convert_type3A_27 = tpu.bitcast %convert_element_type3A_26 : vector<6400x64xf32> -> vector<6400x64xi32>
    %shift_right_logical3A = arith.constant 16 : i32
    %shift_right_logical3A_28 = vector.broadcast %shift_right_logical3A : i32 to vector<6400x64xi32>
    %shift_right_logical3A_29 = arith.shrui %bitcast_convert_type3A, %shift_right_logical3A_28 : vector<6400x64xi32>
    %and3A = arith.constant -65536 : i32
    %and3A_30 = vector.broadcast %and3A : i32 to vector<6400x64xi32>
    %and3A_31 = arith.andi %bitcast_convert_type3A_27, %and3A_30 : vector<6400x64xi32>
    %or3A = arith.ori %shift_right_logical3A_29, %and3A_31 : vector<6400x64xi32>
    %swap3A = arith.constant 0 : index
    %swap3A_32 = arith.constant 0 : index
    %swap3A_33 = vector.load %arg6[%swap3A, %swap3A_32] : memref<6400x64xi32, #tpu.memory_space<vmem>>, vector<6400x64xi32>
    tpu.vector_store %arg6[%swap3A, %swap3A_32], %or3A {strides = array<i32>} : memref<6400x64xi32, #tpu.memory_space<vmem>>, vector<6400x64xi32>,
    return
  }
  func.func @transform_0(%arg0: i32) -> (i32, i32) {
    %c0_i32 = arith.constant 0 : i32
    %c0_i32_0 = arith.constant 0 : i32
    return %arg0, %c0_i32 : i32, i32
  }
  func.func @transform_1(%arg0: i32) -> (i32, i32) {
    %c0_i32 = arith.constant 0 : i32
    %c0_i32_0 = arith.constant 0 : i32
    %c0_i32_1 = arith.constant 0 : i32
    return %c0_i32, %c0_i32_0 : i32, i32
  }
  func.func @transform_2(%arg0: i32) -> (i32, i32) {
    %c0_i32 = arith.constant 0 : i32
    %c0_i32_0 = arith.constant 0 : i32
    %c0_i32_1 = arith.constant 0 : i32
    return %c0_i32, %c0_i32_0 : i32, i32
  }
  func.func @transform_3(%arg0: i32) -> (i32, i32) {
    %c0_i32 = arith.constant 0 : i32
    %c0_i32_0 = arith.constant 0 : i32
    %c0_i32_1 = arith.constant 0 : i32
    return %c0_i32, %c0_i32_0 : i32, i32
  }
  func.func @transform_4(%arg0: i32) -> (i32, i32) {
    %c0_i32 = arith.constant 0 : i32
    %c0_i32_0 = arith.constant 0 : i32
    %c0_i32_1 = arith.constant 0 : i32
    return %c0_i32, %c0_i32_0 : i32, i32
  }
  func.func @transform_5(%arg0: i32) -> (i32, i32) {
    %c0_i32 = arith.constant 0 : i32
    %c0_i32_0 = arith.constant 0 : i32
    return %arg0, %c0_i32 : i32, i32
  }
}

module attributes {stable_mosaic.version = 14 : i64} {
  func.func @_output_block(%arg0: i32, %arg1: memref<2000x128xf32, #tpu.memory_space<vmem>>, %arg2: memref<2x2000x128xf32, #tpu.memory_space<vmem>>, %arg3: memref<128x128xf32, #tpu.memory_space<vmem>>, %arg4: memref<1x128xf32, #tpu.memory_space<vmem>>, %arg5: memref<2000x128xf32, #tpu.memory_space<vmem>>) attributes {dimension_semantics = [#tpu.dimension_semantics<arbitrary>], iteration_bounds = array<i64: 5>, scalar_prefetch = 0 : i64, scratch_operands = 0 : i64, tpu.core_type = #tpu.core_type<tc>, window_params = [{transform_indices = @transform_0, window_bounds = array<i64: 2000, 128>}, {transform_indices = @transform_1, window_bounds = array<i64: 2, 2000, 128>}, {pipeline_mode = #tpu.pipeline_mode<synchronous>, transform_indices = @transform_2, window_bounds = array<i64: 128, 128>}, {pipeline_mode = #tpu.pipeline_mode<synchronous>, transform_indices = @transform_3, window_bounds = array<i64: 1, 128>}, {transform_indices = @transform_4, window_bounds = array<i64: 2000, 128>}]} {
    %get3A = arith.constant 0 : index
    %get3A_0 = arith.constant 0 : index
    %get3A_1 = vector.load %arg1[%get3A, %get3A_0] : memref<2000x128xf32, #tpu.memory_space<vmem>>, vector<2000x128xf32>
    %get3A_2 = arith.constant 0 : index
    %get3A_3 = arith.constant 0 : index
    %get3A_4 = arith.constant 0 : index
    %get3A_5 = vector.load %arg2[%get3A_2, %get3A_3, %get3A_4] : memref<2x2000x128xf32, #tpu.memory_space<vmem>>, vector<1x2000x128xf32>
    %get3A_6 = vector.shape_cast %get3A_5 : vector<1x2000x128xf32> to vector<2000x128xf32>
    %add3A = arith.addf %get3A_1, %get3A_6 : vector<2000x128xf32>
    %get3A_7 = arith.constant 1 : index
    %get3A_8 = arith.constant 0 : index
    %get3A_9 = arith.constant 0 : index
    %get3A_10 = vector.load %arg2[%get3A_7, %get3A_8, %get3A_9] : memref<2x2000x128xf32, #tpu.memory_space<vmem>>, vector<1x2000x128xf32>
    %get3A_11 = vector.shape_cast %get3A_10 : vector<1x2000x128xf32> to vector<2000x128xf32>
    %add3A_12 = arith.addf %add3A, %get3A_11 : vector<2000x128xf32>
    %get3A_13 = arith.constant 0 : index
    %get3A_14 = arith.constant 0 : index
    %get3A_15 = vector.load %arg3[%get3A_13, %get3A_14] : memref<128x128xf32, #tpu.memory_space<vmem>>, vector<128x128xf32>
    %dot_general3A = arith.constant dense<0.000000e+00> : vector<2000x128xf32>
    %dot_general3A_16 = tpu.matmul %add3A_12, %get3A_15, %dot_general3A {dimension_numbers = #tpu.dot_dimension_numbers<[1], [0], [0], [1], [0, 0, 1, 1], [], []>, transpose_lhs_hint = false} : vector<2000x128xf32>, vector<128x128xf32>, vector<2000x128xf32> -> vector<2000x128xf32>
    %get3A_17 = arith.constant 0 : index
    %get3A_18 = arith.constant 0 : index
    %get3A_19 = vector.load %arg4[%get3A_17, %get3A_18] : memref<1x128xf32, #tpu.memory_space<vmem>>, vector<1x128xf32>
    %add3A_20 = vector.broadcast %get3A_19 : vector<1x128xf32> to vector<2000x128xf32>
    %add3A_21 = arith.addf %dot_general3A_16, %add3A_20 : vector<2000x128xf32>
    %swap3A = arith.constant 0 : index
    %swap3A_22 = arith.constant 0 : index
    %swap3A_23 = vector.load %arg5[%swap3A, %swap3A_22] : memref<2000x128xf32, #tpu.memory_space<vmem>>, vector<2000x128xf32>
    tpu.vector_store %arg5[%swap3A, %swap3A_22], %add3A_21 {strides = array<i32>} : memref<2000x128xf32, #tpu.memory_space<vmem>>, vector<2000x128xf32>,
    return
  }
  func.func @transform_0(%arg0: i32) -> (i32, i32) {
    %c0_i32 = arith.constant 0 : i32
    %c0_i32_0 = arith.constant 0 : i32
    return %arg0, %c0_i32 : i32, i32
  }
  func.func @transform_1(%arg0: i32) -> (i32, i32, i32) {
    %c0_i32 = arith.constant 0 : i32
    %c0_i32_0 = arith.constant 0 : i32
    %c0_i32_1 = arith.constant 0 : i32
    return %c0_i32, %arg0, %c0_i32_0 : i32, i32, i32
  }
  func.func @transform_2(%arg0: i32) -> (i32, i32) {
    %c0_i32 = arith.constant 0 : i32
    %c0_i32_0 = arith.constant 0 : i32
    %c0_i32_1 = arith.constant 0 : i32
    return %c0_i32, %c0_i32_0 : i32, i32
  }
  func.func @transform_3(%arg0: i32) -> (i32, i32) {
    %c0_i32 = arith.constant 0 : i32
    %c0_i32_0 = arith.constant 0 : i32
    %c0_i32_1 = arith.constant 0 : i32
    return %c0_i32, %c0_i32_0 : i32, i32
  }
  func.func @transform_4(%arg0: i32) -> (i32, i32) {
    %c0_i32 = arith.constant 0 : i32
    %c0_i32_0 = arith.constant 0 : i32
    return %arg0, %c0_i32 : i32, i32
  }
}

</mosaic_0001>

<sc_bundles>
// kernel: kernel.5.cloned.1.call-start
scs
__scs_entry_jumppad:
0x0: {  	(pc) =	sbr.rel $0x88, $3  }
0x1: {  	(tag) =	ssettag $0x0;
	lr =	simm.s32 $0x1  }
0x2: {  	[smem:$0x3F98] =	sst lr;
	_ =	strace $0xD0000000  }
0x3: {  	_ = 	snop  }
0x4: {  	_ = 	snop  }
0x5: {  	_ = 	snop  }
0x6: {  	_ = 	snop  }
0x7: {  	_ = 	snop  }
__scs_overlays_trampoline_lowered:
0x8: {  	[smem:$0x3FA7] =	sst s0  }
0x9: {  	[smem:$0x3FA8] =	sst s1  }
0xa: {  	[smem:$0x3FA9] =	sst s2  }
0xb: {  	[smem:$0x3FAA] =	sst s3  }
0xc: {  	[smem:$0x3FAB] =	sst s4  }
0xd: {  	[smem:$0x3FAC] =	sst s5  }
0xe: {  	[smem:$0x3FAD] =	sst s6  }
0xf: {  	[smem:$0x3FAE] =	sst s7  }
0x10: {  	[smem:$0x3FAF] =	sst s8  }
0x11: {  	[smem:$0x3FB0] =	sst s9;
	s0 =	simm.s32 @!p0 $0x0  }
0x12: {  	s1 =	sld [smem:$0x3F96];
	s0 =	simm.s32 @p0 $0x1  }
0x13: {  	[smem:$0x3FB1] =	sst s0;
	s0 =	simm.s32 @!p1 $0x0  }
0x14: {  	s2 =	sld [smem:$0x3F95];
	s0 =	simm.s32 @p1 $0x1  }
0x15: {  	[smem:$0x3FB2] =	sst s0;
	s0 =	simm.s32 @!p2 $0x0  }
0x16: {  	s3 =	sld [smem:$0x3FDB];
	s0 =	simm.s32 @p2 $0x1  }
0x17: {  	s4 =	simm.s32 $0x1BF5;
	[smem:$0x3FB4] =	sst s0  }
0x18: {  	s0 =	sld [smem:$0x3F97];
	_ =	swait.ge [sflag:s4], $0x0  }
0x19: {  	s7 =	sld [smem:$0x3F98]  }
0x1a: {  	s8 =	sadd.s32 $0xFFFFE003, lr  }
0x1b: {  	s9 =	sadd.s32 $0xFFFFFEF7, lr;
	s5 =	simm.s32 $0xFFFFFFFF;
	p2 =	slt.u32 s8, $0xFFFFF086  }
0x1c: {  	p1 =	slt.u32 s9, $0xF7A;
	s5 =	simm.s32 @!p2 $0x0  }
0x1d: {  	s5 =	simm.s32 @p1 $0x1;
	p0 =	seq.s32 s7, s2  }
0x1e: {  	s7 =	smul.u32 @!p0 $0xF7A, s2;
	p2 =	seq.s32 @!p0 s5, $0x0  }
0x1f: {  	s9 =	smul.u32 $0xF7A, s1;
	s8 =	simm.s32 @!p0 $0x1BF5;
	p2 =	por !p2, p0  }
0x20: {  	[sflag:s8] =	ssyncset.s32 @!p0 $0xFFFFF086;
	s6 =	sadd.s32 @!p0 s3, s7;
	s7 =	simm.s32 @!p0 $0x108  }
0x21: {  	s3 =	sadd.s32 s3, s9;
	s6 =	sadd.s32 @!p0 $0x88, s6;
	s7 =	simm.s32 @p2 $0x1082  }
0x22: {  	[simem:s7], [sflag:s8] =	dma.local @!p0 [hbm:s6], $0xF7A  }
0x23: {  	s9 =	sor.u32 $0xD0000000, s2;
	s6 =	simm.s32 $0x108;
	_ =	swait.ge @!p0 [sflag:s8], $0x0  }
0x24: {  	s3 =	sadd.s32 $0x88, s3;
	s6 =	simm.s32 @!p1 $0x1082;
	[sflag:s4] =	ssyncset.s32 $0xFFFFF086  }
0x25: {  	[simem:s6], [sflag:s4] =	dma.local [hbm:s3], $0xF7A  }
0x26: {  	[smem:$0x3F98] =	sst s1;
	(tag) =	ssettag s2;
	_ =	strace s9  }
0x27: {  	s1 =	sld [smem:$0x3FA8]  }
0x28: {  	s2 =	sld [smem:$0x3FA9]  }
0x29: {  	s4 =	sld [smem:$0x3FAB]  }
0x2a: {  	p0 =	seq.s32 s5, $0x0;
	s5 =	sld [smem:$0x3FAC]  }
0x2b: {  	s6 =	sld [smem:$0x3FAD]  }
0x2c: {  	s7 =	sld [smem:$0x3FAE]  }
0x2d: {  	s3 =	simm.s32 $0x108;
	s8 =	sld [smem:$0x3FAF]  }
0x2e: {  	s3 =	simm.s32 @!p0 $0x1082;
	s9 =	sld [smem:$0x3FB0]  }
0x2f: {  	lr =	sadd.s32 s0, s3;
	s0 =	sld [smem:$0x3FA7]  }
0x30: {  	s3 =	sld [smem:$0x3FAA]  }
0x31: {  	[smem:$0x3FB3] =	sst s10  }
0x32: {  	s10 =	sld [smem:$0x3FB1];
	_ =	sdelay $0x3  }
0x33: {  	p0 =	seq.s32 s10, $0x1;
	s10 =	sld [smem:$0x3FB3];
	_ =	sdelay $0x3  }
0x34: {  	[smem:$0x3FB3] =	sst s10  }
0x35: {  	s10 =	sld [smem:$0x3FB2];
	_ =	sdelay $0x3  }
0x36: {  	p1 =	seq.s32 s10, $0x1;
	s10 =	sld [smem:$0x3FB3];
	_ =	sdelay $0x3  }
0x37: {  	[smem:$0x3FB3] =	sst s10  }
0x38: {  	s10 =	sld [smem:$0x3FB4]  }
0x39: {  	_ = 	snop;
	(pc) =	sbr.ind lr, $3  }
0x3a: {  	_ = 	snop  }
0x3b: {  	_ = 	snop  }
0x3c: {  	p2 =	seq.s32 s10, $0x1;
	s10 =	sld [smem:$0x3FB3]  }
0x3d: {  	_ =	shalt  }
0x3e: {  	_ =	shalt  }
0x3f: {  	_ =	shalt  }
0x40: {  	_ =	shalt  }
0x41: {  	_ =	shalt  }
0x42: {  	_ =	shalt  }
0x43: {  	_ =	shalt  }
0x44: {  	_ =	shalt  }
0x45: {  	_ =	shalt  }
0x46: {  	_ =	shalt  }
0x47: {  	_ =	shalt  }
0x48: {  	_ =	shalt  }
0x49: {  	_ =	shalt  }
0x4a: {  	_ =	shalt  }
0x4b: {  	_ =	shalt  }
0x4c: {  	_ =	shalt  }
0x4d: {  	_ =	shalt  }
0x4e: {  	_ =	shalt  }
0x4f: {  	_ =	shalt  }
0x50: {  	_ =	shalt  }
0x51: {  	_ =	shalt  }
0x52: {  	_ =	shalt  }
0x53: {  	_ =	shalt  }
0x54: {  	_ =	shalt  }
0x55: {  	_ =	shalt  }
0x56: {  	_ =	shalt  }
0x57: {  	_ =	shalt  }
0x58: {  	_ =	shalt  }
0x59: {  	_ =	shalt  }
0x5a: {  	_ =	shalt  }
0x5b: {  	_ =	shalt  }
0x5c: {  	_ =	shalt  }
0x5d: {  	_ =	shalt  }
0x5e: {  	_ =	shalt  }
0x5f: {  	_ =	shalt  }
0x60: {  	_ =	shalt  }
0x61: {  	_ =	shalt  }
0x62: {  	_ =	shalt  }
0x63: {  	_ =	shalt  }
0x64: {  	_ =	shalt  }
0x65: {  	_ =	shalt  }
0x66: {  	_ =	shalt  }
0x67: {  	_ =	shalt  }
0x68: {  	_ =	shalt  }
0x69: {  	_ =	shalt  }
0x6a: {  	_ =	shalt  }
0x6b: {  	_ =	shalt  }
0x6c: {  	_ =	shalt  }
0x6d: {  	_ =	shalt  }
0x6e: {  	_ =	shalt  }
0x6f: {  	_ =	shalt  }
0x70: {  	_ =	shalt  }
0x71: {  	_ =	shalt  }
0x72: {  	_ =	shalt  }
0x73: {  	_ =	shalt  }
0x74: {  	_ =	shalt  }
0x75: {  	_ =	shalt  }
0x76: {  	_ =	shalt  }
0x77: {  	_ =	shalt  }
0x78: {  	_ =	shalt  }
0x79: {  	_ =	shalt  }
0x7a: {  	_ =	shalt  }
0x7b: {  	_ =	shalt  }
0x7c: {  	_ =	shalt  }
0x7d: {  	_ =	shalt  }
0x7e: {  	_ =	shalt  }
0x7f: {  	_ =	shalt  }
0x80: {  	_ =	shalt  }
0x81: {  	_ =	shalt  }
0x82: {  	_ =	shalt  }
0x83: {  	_ =	shalt  }
0x84: {  	_ =	shalt  }
0x85: {  	_ =	shalt  }
0x86: {  	_ =	shalt  }
0x87: {  	_ =	shalt  }
.Lfunc_end0:
.L_simem_size_0:
called_computation_lowered:
.L_overlay_start_0:
0x88: {  	s2 =	sld [smem:$0x3FD9]  }
0x89: {  	s3 =	sld [smem:$0x3FFE];
	_ =	sdelay $0x1  }
0x8a: {  	s1 =	srdreg.scid  }
0x8b: {  	s0 =	sand.u32 $0x1, s1  }
0x8c: {  	s17 =	sshll.u32 s0, $0xA;
	s2 =	sadd.s32 s3, s2  }
0x8d: {  	s2 =	sadd.s32 s2, s17  }
0x8e: {  	[smem:$0x3FBF] =	sst s2  }
0x8f: {  	_ = 	snop  }
0x90: {  	s2 =	sld [smem:$0x3FC9]  }
0x91: {  	s18 =	sld [smem:$0x3FD0];
	(tm) =	ssettm $0x1  }
0x92: {  	s4 =	sld [smem:$0x3FFB];
	_ =	sdelay $0x3  }
0x93: {  	_ =	strace s4  }
0x94: {  	s4 =	sld [smem:$0x3FFC];
	_ =	sdelay $0x3  }
0x95: {  	_ =	strace s4  }
0x96: {  	s4 =	sld [smem:$0x3FFD];
	_ =	sdelay $0x3  }
0x97: {  	_ =	strace s4  }
0x98: {  	_ =	strace $0x8FFFFFFF  }
0x99: {  	s19 =	sld [smem:$0x3FDB];
	_ =	sdelay $0x1  }
0x9a: {  	s5 =	simm.s32 $_scs_section_size  }
0x9b: {  	s6 =	simm.s32 $_size__tile_overlayer_lowered;
	s7 =	simm.s32 $_tile_overlayer_lowered  }
0x9c: {  	s22 =	simm.s32 $0x1BFF;
	s21 =	sshll.u32 s7, $0x1;
	s4 =	sadd.s32 s5, s19  }
0x9d: {  	s8 =	simm.s32 $0x0;
	s20 =	sshll.u32 s6, $0x1;
	s6 =	sadd.s32 s21, s4  }
0x9e: {  	[timem:s8], [sflag:s22] =	dma.local [hbm:s6], s20  }
0x9f: {  	_ =	swait.ge [sflag:s22], s20  }
0xa0: {  	s5 =	ssub.s32 $0x0, s20;
	[sflag:s22] =	ssyncset.done $0x0  }
0xa1: {  	[sflag:s22] =	ssyncadd.s32 s5;
	_ =	sdelay $0x1  }
0xa2: {  	s23 =	simm.s32 $0x1B8B  }
0xa3: {  	_ =	swait.ge [sflag:s23], $0x1  }
0xa4: {  	[sflag:s23] =	ssyncset.done $0x0  }
0xa5: {  	s25 =	simm.s32 $0x1B8E;
	s24 =	sld [smem:$0x3FFE];
	[sflag:s23] =	ssyncadd.s32 $0xFFFFFFFF  }
0xa6: {  	s26 =	simm.s32 $execute0_lowered;
	[smem:$0x3FD2] =	sst s25  }
0xa7: {  	s6 =	sshll.u32 s26, $0x1;
	_ =	strace $0x80000046;
	[dreg:$0x1] =	wrdreg $0xFFFFFFFF  }
0xa8: {  	s28 =	simm.s32 $_size_execute0_lowered;
	s4 =	sadd.s32 s4, s6;
	[dreg:$0x0] =	wrdreg $0x0  }
0xa9: {  	s6 =	sshll.u32 s28, $0x1;
	[dreg:$0x2] =	wrdreg s4  }
0xaa: {  	[dreg:$0x3] =	wrdreg s6  }
0xab: {  	[dreg:$0x4] =	wrdreg $0xC0  }
0xac: {  	_ =	task [dreg:s8], $0x5FFFF  }
0xad: {  	[dreg:$0x1] =	wrdreg $0xFFFFFFFF  }
0xae: {  	[dreg:$0x0] =	wrdreg $0x60  }
0xaf: {  	[dreg:$0x2] =	wrdreg s24  }
0xb0: {  	[dreg:$0x3] =	wrdreg s18  }
0xb1: {  	[dreg:$0x4] =	wrdreg s2  }
0xb2: {  	[dreg:$0x5] =	wrdreg $0xC3000  }
0xb3: {  	[dreg:$0x6] =	wrdreg $0x9  }
0xb4: {  	_ =	task.clear_ibuf [dreg:s8], $0x7FFFF;
	_ =	strace $0x90000046  }
0xb5: {  	s29 =	simm.s32 $0x9;
	_ =	strace $0x80000048  }
0xb6: {  	_ =	swait.ge [sflag:s29], $0x1  }
0xb7: {  	[sflag:s29] =	ssyncadd.s32 $0xFFFFFFFF  }
0xb8: {  	_ =	strace $0x90000048  }
0xb9: {  	_ =	sfence  }
0xba: {  	s30 =	sld [smem:$0x0];
	_ =	sdelay $0x2  }
0xbb: {  	s31 =	sshll.u32 s1, $0xD;
	s1 =	sshrl.u32 s1, $0x2  }
0xbc: {  	s3 =	sand.u32 $0x4000, s31;
	s1 =	sadd.s32 s1, s30  }
0xbd: {  	s0 =	sor.u32 s3, s0;
	s1 =	sshll.u32 s1, $0x11  }
0xbe: {  	s0 =	sor.u32 s1, s0  }
0xbf: {  	s0 =	sadd.s32 $0x8F2B, s0  }
0xc0: {  	[sflag:s0] =	ssyncadd.remote.s32 $0x1  }
0xc1: {  	_ =	sfence.sel $0xFFFF  }
0xc2: {  	[dreg:$0x0] =	wrdreg $0xFFFFFFFF;
	(pc) =	sbr.abs _section_cstart, $3  }
0xc3: {  	[dreg:$0x1] =	wrdreg $0xFFFFFFFF  }
0xc4: {  	_ =	task.clear_ibuf [dreg:s8], $0x2FFFF;
	_ =	strace $0x9FFFFFFF  }
0xc5: {  	(tm) =	ssettm $0x7FFFFFFF  }
tec
execute0_lowered:
.L_overlay_start_1:
0x0: {  	(tag) =	ssettag $0x1  }
0x1: {  	s0 =	rddreg [dreg:$0x0]  }
0x2: {  	s1 =	rddreg [dreg:$0x1]  }
0x3: {  	s2 =	rddreg [dreg:$0x2]  }
0x4: {  	s3 =	rddreg [dreg:$0x3]  }
0x5: {  	s4 =	simm.s32 $0x0;
	s12 =	srdreg.scid;
	s7 =	stileid.u32  }
0x6: {  	s28 =	simm.s32 $0x180;
	s29 =	simm.s32 $0x1;
	s31 =	simm.s32 $0x40  }
0x7: {  	[smem:$0x7FF] =	sst s4;
	s5 =	sadd.s32 $0x5F4600, s0;
	s6 =	sadd.s32 $0xE00, s0  }
0x8: {  	s4 =	sand.u32 $0x1, s12;
	s8 =	sadd.s32 $0xAC00, s0;
	s9 =	smul.u32 $0x4E000, s7  }
0x9: {  	s0 =	sadd.s32 $0xD400, s0;
	s11 =	sshll.u32 s7, $0x1;
	s15 =	sshll.u32 s7, $0x6  }
0xa: {  	s16 =	sadd.s32 $0x138000, s3;
	s21 =	smul.u32 $0x13800, s7;
	p0 =	sne.s32 s7, $0x0  }
0xb: {  	p1 =	sgt.u32 s7, $0x3;
	_ =	strace $0x80000047;
	[dreg:$0x5] =	wrdreg s8  }
0xc: {  	s13 =	ssub.s32 $0x2, s4;
	s14 =	sor.u32 s4, s11;
	s15 =	sor.u32 $0x1C07, s15  }
0xd: {  	[dreg:$0x8] =	wrdreg s16;
	s4 =	smul.u32 $0x138800, s4;
	s10 =	sshrl.u32 s13, $0x1  }
0xe: {  	s9 =	sshrl.u32 s9, $0x2;
	s11 =	sshll.u32 s14, $0x3;
	s19 =	sshll.u32 s14, $0xA  }
0xf: {  	s16 =	sor.u32 $0x20, s14;
	[dreg:$0x7] =	wrdreg s15;
	s8 =	ssub.s32 s13, s10  }
0x10: {  	s9 =	sadd.s32 s9, s3;
	s17 =	sadd.s32 s6, s11;
	s18 =	sadd.s32 s1, s11  }
0x11: {  	s20 =	sor.u32 $0x100, s11;
	s22 =	sadd.s32 s21, s4;
	s10 =	sshll.u32 s14, $0x6  }
0x12: {  	s4 =	sshrl.u32 s4, $0x3;
	s21 =	simm.s32 $0x80;
	[dreg:$0x6] =	wrdreg s9  }
0x13: {  	s11 =	simm.s32 $0x100;
	s13 =	simm.s32 $0x4;
	[dreg:$0x9] =	wrdreg s17  }
0x14: {  	[dreg:$0xa] =	wrdreg s18;
	s9 =	sadd.s32 s5, s19;
	s12 =	sadd.s32 s6, s20  }
0x15: {  	s17 =	sor.u32 $0x40, s14;
	s18 =	sor.u32 $0x60, s14;
	s19 =	sor.u32 $0x80, s14  }
0x16: {  	s10 =	sor.u32 $0x4E000, s10;
	s30 =	smax.u32 s8, $0x1;
	[dreg:$0xb] =	wrdreg s9  }
0x17: {  	s14 =	simm.s32 $0x3;
	[dreg:$0xc] =	wrdreg s12;
	s9 =	sadd.s32 s1, s20  }
0x18: {  	s23 =	sshrl.u32 s10, $0x3;
	s25 =	sshll.u32 s10, $0x4;
	[dreg:$0x13] =	wrdreg s30  }
0x19: {  	s10 =	simm.s32 $0x8300;
	s12 =	simm.s32 $0x280;
	s20 =	simm.s32 $0xA300  }
0x1a: {  	[dreg:$0xd] =	wrdreg s9;
	s9 =	sshrl.u32 s22, $0x3;
	s24 =	sadd.s32 s6, s23  }
0x1b: {  	s26 =	sadd.s32 s5, s25;
	s22 =	simm.s32 $0x200;
	s25 =	simm.s32 $0x6  }
.Ltmp0:
0x1c: {  	s9 =	sadd.s32 s0, s9;
	[dreg:$0xf] =	wrdreg s24;
	(pc) =	sbr.rel .LBB2_1-.Ltmp0, $4  }
0x1d: {  	s0 =	sadd.s32 s0, s4;
	s4 =	sadd.s32 s1, s23;
	[dreg:$0x11] =	wrdreg s26  }
0x1e: {  	s26 =	simm.s32 $0x7;
	s23 =	simm.s32 $0x2;
	[dreg:$0xe] =	wrdreg s9  }
0x1f: {  	s24 =	simm.s32 $0x5;
	[dreg:$0x10] =	wrdreg s4;
	s0 =	sadd.s32 $0x27000, s0  }
0x20: {  	s9 =	simm.s32 $0x0;
	[dreg:$0x12] =	wrdreg s0;
	s0 =	simm.s32 $0x6300  }
.LBB2_13:
0x21: {  	[bflag:$0x0] =	sbarrier.arrive $0xFFFF  }
0x22: {  	s4 =	rddreg [dreg:$0xe]  }
0x23: {  	s7 =	rddreg [dreg:$0x15]  }
0x24: {  	[hbm:s4], [sflag:s15] =	dma.local [spmem:s7], $0x2700  }
0x25: {  	_ =	swait.ge [sflag:s26], $0x2700  }
0x26: {  	[sflag:s26] =	ssyncset.done $0x0;
	s4 =	rddreg [dreg:$0x12]  }
0x27: {  	s7 =	rddreg [dreg:$0x16];
	[sflag:s26] =	ssyncadd.s32 $0xFFFFD900  }
0x28: {  	[hbm:s4], [sflag:s15] =	dma.local @!p0 [spmem:s7], $0x100  }
0x29: {  	s4 =	simm.s32 @!p0 $0x7  }
0x2a: {  	_ =	swait.ge @!p0 [sflag:s4], $0x100  }
0x2b: {  	s9 =	sadd.s32 $0x1, s9;
	s30 =	rddreg [dreg:$0x13]  }
0x2c: {  	p2 =	sne.s32 s9, s30  }
.Ltmp1:
0x2d: {  	_ = 	snop;
	(pc) =	sbr.rel @!p2 .LBB2_14-.Ltmp1, $3  }
0x2e: {  	_ =	sdelay $0x1  }
0x2f: {  	[sflag:s4] =	ssyncset.done @!p0 $0x0  }
0x30: {  	[sflag:s4] =	ssyncadd.s32 @!p0 $0xFFFFFF00  }
.LBB2_1:
0x31: {  	[dreg:$0x14] =	wrdreg s9  }
0x32: {  	s4 =	rddreg [dreg:$0x6]  }
0x33: {  	s7 =	sshrl.u32 s4, $0x3;
	s4 =	rddreg [dreg:$0x5]  }
0x34: {  	[dreg:$0x15] =	wrdreg s7  }
0x35: {  	[spmem:s7], [sflag:s15] =	dma.local [hbm:s4], $0x2700  }
0x36: {  	_ =	swait.ge [sflag:s26], $0x2700  }
0x37: {  	s7 =	rddreg [dreg:$0x8]  }
0x38: {  	[sflag:s26] =	ssyncset.done $0x0;
	s7 =	sshrl.u32 @!p0 s7, $0x3  }
0x39: {  	[sflag:s26] =	ssyncadd.s32 $0xFFFFD900;
	[dreg:$0x16] =	wrdreg s7  }
0x3a: {  	[spmem:s7], [sflag:s15] =	dma.local @!p0 [hbm:s4], $0x100  }
0x3b: {  	s4 =	simm.s32 @!p0 $0x7  }
0x3c: {  	_ =	swait.ge @!p0 [sflag:s4], $0x100  }
0x3d: {  	[sflag:s4] =	ssyncset.done @!p0 $0x0  }
0x3e: {  	[sflag:s4] =	ssyncadd.s32 @!p0 $0xFFFFFF00  }
0x3f: {  	[bflag:$0x0] =	sbarrier.arrive $0xFFFF  }
0x40: {  	s4 =	simm.s32 $0x0;
	s30 =	rddreg [dreg:$0x9]  }
0x41: {  	[tilespmem:s4], [sflag:$0x1] =	stream.linear.gather [hbm4b:s30+s4], $0x40, $0x38;
	[tilespmem:$0x1FB80] =	vst v63  }
0x42: {  	s8 =	rddreg [dreg:$0xa]  }
0x43: {  	[tilespmem:s28], [sflag:$0x1] =	stream.linear.gather [hbm4b:s8+s4], $0x40, $0x38;
	[tilespmem:$0x1FB80] =	vst v63  }
0x44: {  	_ =	swait.ge [sflag:s29], $0x40  }
0x45: {  	[sflag:s29] =	ssyncset.done $0x0  }
0x46: {  	[sflag:s29] =	ssyncadd.s32 $0xFFFFFFC0  }
0x47: {  	_ =	swait.ge [sflag:s29], $0x40  }
0x48: {  	[sflag:s29] =	ssyncset.done $0x0  }
0x49: {  	s8 =	simm.s32 $0x300;
	s9 =	rddreg [dreg:$0xb];
	[sflag:s29] =	ssyncadd.s32 $0xFFFFFFC0  }
0x4a: {  	[tilespmem:s8], [sflag:$0x4] =	stream.linear.gather [hbm4b:s9+s4], $0x2000, $0x38;
	[tilespmem:$0x1FB80] =	vst v63  }
0x4b: {  	_ = 	snop  }
0x4c: {  	[tilespmem:s0], [sflag:$0x4] =	stream.indirect.gather [hbm4b:s2+s31], $0x80, s28, s31, $0xb8;
	[tilespmem:$0x1FB80] =	vst v63  }
0x4d: {  	s15 =	rddreg [dreg:$0xc]  }
0x4e: {  	[tilespmem:s21], [sflag:$0x2] =	stream.linear.gather [hbm4b:s15+s4], $0x40, $0x38;
	[tilespmem:$0x1FB80] =	vst v63  }
0x4f: {  	s30 =	rddreg [dreg:$0xd]  }
0x50: {  	[tilespmem:s22], [sflag:$0x2] =	stream.linear.gather [hbm4b:s30+s4], $0x40, $0x38;
	[tilespmem:$0x1FB80] =	vst v63  }
0x51: {  	s4 =	simm.s32 $0x0  }
.LBB2_2:
0x52: {  	_ =	swait.ge [sflag:s23], $0x40  }
0x53: {  	s9 =	smul.u32 $0x60, s4;
	[sflag:s23] =	ssyncset.done $0x0  }
0x54: {  	[sflag:s23] =	ssyncadd.s32 $0xFFFFFFC0  }
0x55: {  	s7 =	sadd.s32 s16, s9;
	_ =	swait.ge [sflag:s23], $0x40  }
0x56: {  	s8 =	simm.s32 $0x0;
	s7 =	sshll.u32 s7, $0xA;
	[sflag:s23] =	ssyncset.done $0x0  }
0x57: {  	s15 =	simm.s32 $0x2300;
	s7 =	sadd.s32 s5, s7;
	[sflag:s23] =	ssyncadd.s32 $0xFFFFFFC0  }
0x58: {  	[tilespmem:s15], [sflag:$0x5] =	stream.linear.gather [hbm4b:s7+s8], $0x2000, $0x38;
	[tilespmem:$0x1FB80] =	vst v63  }
0x59: {  	s7 =	sadd.s32 s17, s9  }
0x5a: {  	s15 =	sshll.u32 s7, $0x3  }
0x5b: {  	[tilespmem:s10], [sflag:$0x5] =	stream.indirect.gather [hbm4b:s2+s31], $0x80, s22, s31, $0xb8;
	[tilespmem:$0x1FB80] =	vst v63  }
0x5c: {  	s30 =	sadd.s32 s6, s15  }
0x5d: {  	[tilespmem:s11], [sflag:$0x3] =	stream.linear.gather [hbm4b:s30+s8], $0x40, $0x38;
	[tilespmem:$0x1FB80] =	vst v63  }
0x5e: {  	s15 =	sadd.s32 s1, s15  }
0x5f: {  	[tilespmem:s12], [sflag:$0x3] =	stream.linear.gather [hbm4b:s15+s8], $0x40, $0x38;
	[tilespmem:$0x1FB80] =	vst v63  }
0x60: {  	_ =	swait.ge [sflag:s13], $0x2000  }
0x61: {  	[sflag:s13] =	ssyncset.done $0x0  }
0x62: {  	[sflag:s13] =	ssyncadd.s32 $0xFFFFE000  }
0x63: {  	_ =	swait.ge [sflag:s13], $0x2000  }
0x64: {  	[sflag:s13] =	ssyncset.done $0x0  }
0x65: {  	s8 =	simm.s32 $0x0;
	[sflag:s13] =	ssyncadd.s32 $0xFFFFE000  }
0x66: {  	v3 =	vld [tilespmem:s8+$0x300]  }
0x67: {  	v4 =	vld [tilespmem:s8+$0x310]  }
0x68: {  	v5 =	vld [tilespmem:s8+$0x320]  }
0x69: {  	v7 =	vld [tilespmem:s8+$0x330]  }
0x6a: {  	v8 =	vld [tilespmem:s8+$0x380]  }
0x6b: {  	v2 =	vld [tilespmem:s8+$0x390]  }
0x6c: {  	v6 =	vld [tilespmem:s8+$0x6300]  }
0x6d: {  	v9 =	vld [tilespmem:s8+$0x6340]  }
0x6e: {  	v1 =	vld [tilespmem:s8+$0x3A0]  }
0x6f: {  	v10 =	vld [tilespmem:s8+$0x6310]  }
0x70: {  	v11 =	vld [tilespmem:s8+$0x6350];
	v12 =	vshll.u32 v3, $0x10  }
0x71: {  	v13 =	vld [tilespmem:s8+$0x6320];
	v3 =	vand.u32 $0xFFFF0000, v3;
	v6 =	vmul.f32 v12, v6  }
0x72: {  	v0 =	vld [tilespmem:s8+$0x3B0];
	v3 =	vmul.f32 v3, v9  }
0x73: {  	v63 =	vld [tilespmem:s8+$0x6360];
	[tilespmem:s8+$0x6300] =	vst v6;
	v6 =	vshll.u32 v4, $0x10  }
0x74: {  	v14 =	vld [tilespmem:s8+$0x6330];
	[tilespmem:s8+$0x6340] =	vst v3;
	v3 =	vand.u32 $0xFFFF0000, v4;
	v6 =	vmul.f32 v6, v10  }
0x75: {  	v9 =	vld [tilespmem:s8+$0x6370];
	v4 =	vshll.u32 v5, $0x10;
	v3 =	vmul.f32 v3, v11  }
0x76: {  	v15 =	vld [tilespmem:s8+$0x6380];
	v10 =	vmul.f32 v4, v13;
	[tilespmem:s8+$0x6310] =	vst v6  }
0x77: {  	v6 =	vld [tilespmem:s8+$0x63C0];
	[tilespmem:s8+$0x6350] =	vst v3;
	v3 =	vand.u32 $0xFFFF0000, v5  }
0x78: {  	v4 =	vld [tilespmem:s8+$0x6390];
	[tilespmem:s8+$0x6320] =	vst v10;
	v10 =	vshll.u32 v7, $0x10;
	v3 =	vmul.f32 v3, v63  }
0x79: {  	v5 =	vld [tilespmem:s8+$0x63D0];
	v7 =	vand.u32 $0xFFFF0000, v7;
	v10 =	vmul.f32 v10, v14  }
0x7a: {  	v11 =	vshll.u32 v8, $0x10;
	v9 =	vmul.f32 v7, v9;
	[tilespmem:s8+$0x6360] =	vst v3;
	v3 =	vld [tilespmem:s8+$0x63A0]  }
0x7b: {  	s15 =	simm.s32 $0x400;
	v7 =	vld [tilespmem:s8+$0x63E0];
	[tilespmem:s8+$0x6330] =	vst v10;
	v10 =	vand.u32 $0xFFFF0000, v8;
	v8 =	vmul.f32 v11, v15  }
.LBB2_3:
0x7c: {  	p2 =	sne.s32 s15, $0x7C00;
	[tilespmem:s8+$0x6370] =	vst v9;
	v6 =	vmul.f32 v10, v6;
	v9 =	vshll.u32 v2, $0x10;
	v10 =	vld [tilespmem:s8+$0x63B0]  }
0x7d: {  	s30 =	sshra.s32 s15, $0x2;
	v2 =	vand.u32 $0xFFFF0000, v2;
	[tilespmem:s8+$0x6380] =	vst v8;
	v4 =	vmul.f32 v9, v4;
	v8 =	vld [tilespmem:s8+$0x63F0]  }
0x7e: {  	v9 =	vld [tilespmem:s30+$0x300];
	[tilespmem:s8+$0x63C0] =	vst v6;
	v2 =	vmul.f32 v2, v5;
	v5 =	vshll.u32 v1, $0x10  }
0x7f: {  	v1 =	vand.u32 $0xFFFF0000, v1;
	v6 =	vld [tilespmem:s30+$0x310];
	[tilespmem:s8+$0x6390] =	vst v4;
	v3 =	vmul.f32 v5, v3  }
0x80: {  	v4 =	vld [tilespmem:s30+$0x320];
	[tilespmem:s8+$0x63D0] =	vst v2;
	v1 =	vmul.f32 v1, v7;
	v2 =	vshll.u32 v0, $0x10  }
0x81: {  	v0 =	vand.u32 $0xFFFF0000, v0;
	v5 =	vld [tilespmem:s30+$0x330];
	[tilespmem:s8+$0x63A0] =	vst v3;
	v3 =	vmul.f32 v2, v10  }
0x82: {  	v7 =	vld [tilespmem:s30+$0x380];
	[tilespmem:s8+$0x63E0] =	vst v1;
	v0 =	vmul.f32 v0, v8  }
0x83: {  	v2 =	vld [tilespmem:s30+$0x390];
	[tilespmem:s8+$0x63B0] =	vst v3  }
0x84: {  	v1 =	vld [tilespmem:s30+$0x3A0];
	[tilespmem:s8+$0x63F0] =	vst v0;
	s8 =	smov.u32 s30  }
0x85: {  	v0 =	vld [tilespmem:s8+$0x3B0]  }
0x86: {  	v3 =	vld [tilespmem:s8+$0x6300]  }
0x87: {  	v8 =	vld [tilespmem:s8+$0x6340]  }
0x88: {  	v10 =	vld [tilespmem:s8+$0x6310]  }
0x89: {  	v11 =	vld [tilespmem:s8+$0x6350]  }
0x8a: {  	v12 =	vshll.u32 v9, $0x10;
	v13 =	vld [tilespmem:s8+$0x6320]  }
0x8b: {  	v9 =	vand.u32 $0xFFFF0000, v9;
	v3 =	vmul.f32 v12, v3;
	v12 =	vld [tilespmem:s8+$0x6360]  }
0x8c: {  	v8 =	vmul.f32 v9, v8;
	v9 =	vshll.u32 v6, $0x10;
	v14 =	vld [tilespmem:s8+$0x6330]  }
0x8d: {  	[tilespmem:s8+$0x6300] =	vst v3;
	v3 =	vand.u32 $0xFFFF0000, v6;
	v6 =	vmul.f32 v9, v10;
	v9 =	vld [tilespmem:s8+$0x6370]  }
0x8e: {  	[tilespmem:s8+$0x6340] =	vst v8;
	v3 =	vmul.f32 v3, v11;
	v8 =	vshll.u32 v4, $0x10;
	v11 =	vld [tilespmem:s8+$0x6380]  }
.Ltmp2:
0x8f: {  	v4 =	vand.u32 $0xFFFF0000, v4;
	[tilespmem:s8+$0x6310] =	vst v6;
	v8 =	vmul.f32 v8, v13;
	v6 =	vld [tilespmem:s8+$0x63C0];
	(pc) =	sbr.rel @p2 .LBB2_3-.Ltmp2, $4  }
0x90: {  	v10 =	vshll.u32 v5, $0x10;
	[tilespmem:s8+$0x6350] =	vst v3;
	v3 =	vmul.f32 v4, v12;
	v4 =	vld [tilespmem:s8+$0x6390]  }
0x91: {  	[tilespmem:s8+$0x6320] =	vst v8;
	v8 =	vand.u32 $0xFFFF0000, v5;
	v10 =	vmul.f32 v10, v14;
	v5 =	vld [tilespmem:s8+$0x63D0]  }
0x92: {  	[tilespmem:s8+$0x6360] =	vst v3;
	v9 =	vmul.f32 v8, v9;
	v8 =	vshll.u32 v7, $0x10;
	v3 =	vld [tilespmem:s8+$0x63A0]  }
0x93: {  	s15 =	sadd.s32 $0x400, s15;
	[tilespmem:s8+$0x6330] =	vst v10;
	v10 =	vand.u32 $0xFFFF0000, v7;
	v8 =	vmul.f32 v8, v11;
	v7 =	vld [tilespmem:s8+$0x63E0]  }
0x94: {  	[tilespmem:s8+$0x6370] =	vst v9;
	v9 =	vld [tilespmem:s8+$0x63B0];
	v6 =	vmul.f32 v10, v6;
	v10 =	vshll.u32 v2, $0x10  }
0x95: {  	v2 =	vand.u32 $0xFFFF0000, v2;
	[tilespmem:s8+$0x6380] =	vst v8;
	v4 =	vmul.f32 v10, v4;
	v8 =	vld [tilespmem:s8+$0x63F0]  }
0x96: {  	[tilespmem:s8+$0x63C0] =	vst v6;
	v2 =	vmul.f32 v2, v5;
	v5 =	vshll.u32 v1, $0x10  }
0x97: {  	v1 =	vand.u32 $0xFFFF0000, v1;
	[tilespmem:s8+$0x6390] =	vst v4;
	v3 =	vmul.f32 v5, v3  }
0x98: {  	[tilespmem:s8+$0x63D0] =	vst v2;
	v1 =	vmul.f32 v1, v7;
	v2 =	vshll.u32 v0, $0x10  }
0x99: {  	v0 =	vand.u32 $0xFFFF0000, v0;
	[tilespmem:s8+$0x63A0] =	vst v3;
	v2 =	vmul.f32 v2, v9  }
0x9a: {  	[tilespmem:s8+$0x63E0] =	vst v1;
	v0 =	vmul.f32 v0, v8  }
0x9b: {  	[tilespmem:s8+$0x63B0] =	vst v2  }
0x9c: {  	[tilespmem:s8+$0x63F0] =	vst v0;
	s8 =	simm.s32 $0x0  }
0x9d: {  	[spmem:s3] =	stream.indirect.scatter.add.f32 [tilespmem:s0], [sflag:$0x7], $0x80, s8, s31, $0xb8;
	[tilespmem:$0x1FB80] =	vst v63  }
0x9e: {  	_ =	swait.ge [sflag:s26], $0x2000  }
0x9f: {  	[sflag:s26] =	ssyncset.done $0x0  }
0xa0: {  	[sflag:s26] =	ssyncadd.s32 $0xFFFFE000  }
0xa1: {  	_ =	swait.ge [sflag:s14], $0x40  }
0xa2: {  	[sflag:s14] =	ssyncset.done $0x0  }
0xa3: {  	[sflag:s14] =	ssyncadd.s32 $0xFFFFFFC0  }
0xa4: {  	_ =	swait.ge [sflag:s14], $0x40  }
0xa5: {  	s7 =	sshll.u32 s7, $0xA;
	[sflag:s14] =	ssyncset.done $0x0  }
0xa6: {  	s15 =	simm.s32 $0x4300;
	s7 =	sadd.s32 s5, s7;
	[sflag:s14] =	ssyncadd.s32 $0xFFFFFFC0  }
0xa7: {  	[tilespmem:s15], [sflag:$0x6] =	stream.linear.gather [hbm4b:s7+s8], $0x2000, $0x38;
	[tilespmem:$0x1FB80] =	vst v63  }
0xa8: {  	s7 =	sadd.s32 s18, s9  }
0xa9: {  	p2 =	slt.s32 s7, $0x1387  }
0xaa: {  	[tilespmem:s20], [sflag:$0x6] =	stream.indirect.gather [hbm4b:s2+s31], $0x80, s12, s31, $0xb8;
	[tilespmem:$0x1FB80] =	vst v63  }
0xab: {  	s7 =	simm.s32 @!p2 $0x1387  }
0xac: {  	s15 =	sshll.u32 s7, $0x3  }
0xad: {  	s30 =	sadd.s32 s6, s15  }
0xae: {  	[tilespmem:s8], [sflag:$0x1] =	stream.linear.gather [hbm4b:s30+s8], $0x40, $0x38;
	[tilespmem:$0x1FB80] =	vst v63  }
0xaf: {  	s15 =	sadd.s32 s1, s15  }
0xb0: {  	[tilespmem:s28], [sflag:$0x1] =	stream.linear.gather [hbm4b:s15+s8], $0x40, $0x38;
	[tilespmem:$0x1FB80] =	vst v63  }
0xb1: {  	_ =	swait.ge [sflag:s24], $0x2000  }
0xb2: {  	[sflag:s24] =	ssyncset.done $0x0  }
0xb3: {  	[sflag:s24] =	ssyncadd.s32 $0xFFFFE000  }
0xb4: {  	_ =	swait.ge [sflag:s24], $0x2000  }
0xb5: {  	[sflag:s24] =	ssyncset.done $0x0  }
0xb6: {  	s8 =	simm.s32 $0x0;
	[sflag:s24] =	ssyncadd.s32 $0xFFFFE000  }
0xb7: {  	v3 =	vld [tilespmem:s8+$0x2300]  }
0xb8: {  	v4 =	vld [tilespmem:s8+$0x2310]  }
0xb9: {  	v5 =	vld [tilespmem:s8+$0x2320]  }
0xba: {  	v7 =	vld [tilespmem:s8+$0x2330]  }
0xbb: {  	v8 =	vld [tilespmem:s8+$0x2380]  }
0xbc: {  	v2 =	vld [tilespmem:s8+$0x2390]  }
0xbd: {  	v6 =	vld [tilespmem:s8+$0x8300]  }
0xbe: {  	v9 =	vld [tilespmem:s8+$0x8340]  }
0xbf: {  	v1 =	vld [tilespmem:s8+$0x23A0]  }
0xc0: {  	v10 =	vld [tilespmem:s8+$0x8310]  }
0xc1: {  	v11 =	vld [tilespmem:s8+$0x8350];
	v12 =	vshll.u32 v3, $0x10  }
0xc2: {  	v13 =	vld [tilespmem:s8+$0x8320];
	v3 =	vand.u32 $0xFFFF0000, v3;
	v6 =	vmul.f32 v12, v6  }
0xc3: {  	v0 =	vld [tilespmem:s8+$0x23B0];
	v3 =	vmul.f32 v3, v9  }
0xc4: {  	v63 =	vld [tilespmem:s8+$0x8360];
	[tilespmem:s8+$0x8300] =	vst v6;
	v6 =	vshll.u32 v4, $0x10  }
0xc5: {  	v14 =	vld [tilespmem:s8+$0x8330];
	[tilespmem:s8+$0x8340] =	vst v3;
	v3 =	vand.u32 $0xFFFF0000, v4;
	v6 =	vmul.f32 v6, v10  }
0xc6: {  	v9 =	vld [tilespmem:s8+$0x8370];
	v4 =	vshll.u32 v5, $0x10;
	v3 =	vmul.f32 v3, v11  }
0xc7: {  	v15 =	vld [tilespmem:s8+$0x8380];
	v10 =	vmul.f32 v4, v13;
	[tilespmem:s8+$0x8310] =	vst v6  }
0xc8: {  	v6 =	vld [tilespmem:s8+$0x83C0];
	[tilespmem:s8+$0x8350] =	vst v3;
	v3 =	vand.u32 $0xFFFF0000, v5  }
0xc9: {  	v4 =	vld [tilespmem:s8+$0x8390];
	[tilespmem:s8+$0x8320] =	vst v10;
	v10 =	vshll.u32 v7, $0x10;
	v3 =	vmul.f32 v3, v63  }
0xca: {  	v5 =	vld [tilespmem:s8+$0x83D0];
	v7 =	vand.u32 $0xFFFF0000, v7;
	v10 =	vmul.f32 v10, v14  }
0xcb: {  	v11 =	vshll.u32 v8, $0x10;
	v9 =	vmul.f32 v7, v9;
	[tilespmem:s8+$0x8360] =	vst v3;
	v3 =	vld [tilespmem:s8+$0x83A0]  }
0xcc: {  	s15 =	simm.s32 $0x400;
	v7 =	vld [tilespmem:s8+$0x83E0];
	[tilespmem:s8+$0x8330] =	vst v10;
	v10 =	vand.u32 $0xFFFF0000, v8;
	v8 =	vmul.f32 v11, v15  }
.LBB2_5:
0xcd: {  	p2 =	sne.s32 s15, $0x7C00;
	[tilespmem:s8+$0x8370] =	vst v9;
	v6 =	vmul.f32 v10, v6;
	v9 =	vshll.u32 v2, $0x10;
	v10 =	vld [tilespmem:s8+$0x83B0]  }
0xce: {  	s30 =	sshra.s32 s15, $0x2;
	v2 =	vand.u32 $0xFFFF0000, v2;
	[tilespmem:s8+$0x8380] =	vst v8;
	v4 =	vmul.f32 v9, v4;
	v8 =	vld [tilespmem:s8+$0x83F0]  }
0xcf: {  	v9 =	vld [tilespmem:s30+$0x2300];
	[tilespmem:s8+$0x83C0] =	vst v6;
	v2 =	vmul.f32 v2, v5;
	v5 =	vshll.u32 v1, $0x10  }
0xd0: {  	v1 =	vand.u32 $0xFFFF0000, v1;
	v6 =	vld [tilespmem:s30+$0x2310];
	[tilespmem:s8+$0x8390] =	vst v4;
	v3 =	vmul.f32 v5, v3  }
0xd1: {  	v4 =	vld [tilespmem:s30+$0x2320];
	[tilespmem:s8+$0x83D0] =	vst v2;
	v1 =	vmul.f32 v1, v7;
	v2 =	vshll.u32 v0, $0x10  }
0xd2: {  	v0 =	vand.u32 $0xFFFF0000, v0;
	v5 =	vld [tilespmem:s30+$0x2330];
	[tilespmem:s8+$0x83A0] =	vst v3;
	v3 =	vmul.f32 v2, v10  }
0xd3: {  	v7 =	vld [tilespmem:s30+$0x2380];
	[tilespmem:s8+$0x83E0] =	vst v1;
	v0 =	vmul.f32 v0, v8  }
0xd4: {  	v2 =	vld [tilespmem:s30+$0x2390];
	[tilespmem:s8+$0x83B0] =	vst v3  }
0xd5: {  	v1 =	vld [tilespmem:s30+$0x23A0];
	[tilespmem:s8+$0x83F0] =	vst v0;
	s8 =	smov.u32 s30  }
0xd6: {  	v0 =	vld [tilespmem:s8+$0x23B0]  }
0xd7: {  	v3 =	vld [tilespmem:s8+$0x8300]  }
0xd8: {  	v8 =	vld [tilespmem:s8+$0x8340]  }
0xd9: {  	v10 =	vld [tilespmem:s8+$0x8310]  }
0xda: {  	v11 =	vld [tilespmem:s8+$0x8350]  }
0xdb: {  	v12 =	vshll.u32 v9, $0x10;
	v13 =	vld [tilespmem:s8+$0x8320]  }
0xdc: {  	v9 =	vand.u32 $0xFFFF0000, v9;
	v3 =	vmul.f32 v12, v3;
	v12 =	vld [tilespmem:s8+$0x8360]  }
0xdd: {  	v8 =	vmul.f32 v9, v8;
	v9 =	vshll.u32 v6, $0x10;
	v14 =	vld [tilespmem:s8+$0x8330]  }
0xde: {  	[tilespmem:s8+$0x8300] =	vst v3;
	v3 =	vand.u32 $0xFFFF0000, v6;
	v6 =	vmul.f32 v9, v10;
	v9 =	vld [tilespmem:s8+$0x8370]  }
0xdf: {  	[tilespmem:s8+$0x8340] =	vst v8;
	v3 =	vmul.f32 v3, v11;
	v8 =	vshll.u32 v4, $0x10;
	v11 =	vld [tilespmem:s8+$0x8380]  }
.Ltmp3:
0xe0: {  	v4 =	vand.u32 $0xFFFF0000, v4;
	[tilespmem:s8+$0x8310] =	vst v6;
	v8 =	vmul.f32 v8, v13;
	v6 =	vld [tilespmem:s8+$0x83C0];
	(pc) =	sbr.rel @p2 .LBB2_5-.Ltmp3, $4  }
0xe1: {  	v10 =	vshll.u32 v5, $0x10;
	[tilespmem:s8+$0x8350] =	vst v3;
	v3 =	vmul.f32 v4, v12;
	v4 =	vld [tilespmem:s8+$0x8390]  }
0xe2: {  	[tilespmem:s8+$0x8320] =	vst v8;
	v8 =	vand.u32 $0xFFFF0000, v5;
	v10 =	vmul.f32 v10, v14;
	v5 =	vld [tilespmem:s8+$0x83D0]  }
0xe3: {  	[tilespmem:s8+$0x8360] =	vst v3;
	v9 =	vmul.f32 v8, v9;
	v8 =	vshll.u32 v7, $0x10;
	v3 =	vld [tilespmem:s8+$0x83A0]  }
0xe4: {  	s15 =	sadd.s32 $0x400, s15;
	[tilespmem:s8+$0x8330] =	vst v10;
	v10 =	vand.u32 $0xFFFF0000, v7;
	v8 =	vmul.f32 v8, v11;
	v7 =	vld [tilespmem:s8+$0x83E0]  }
0xe5: {  	[tilespmem:s8+$0x8370] =	vst v9;
	v9 =	vld [tilespmem:s8+$0x83B0];
	v6 =	vmul.f32 v10, v6;
	v10 =	vshll.u32 v2, $0x10  }
0xe6: {  	v2 =	vand.u32 $0xFFFF0000, v2;
	[tilespmem:s8+$0x8380] =	vst v8;
	v4 =	vmul.f32 v10, v4;
	v8 =	vld [tilespmem:s8+$0x83F0]  }
0xe7: {  	[tilespmem:s8+$0x83C0] =	vst v6;
	v2 =	vmul.f32 v2, v5;
	v5 =	vshll.u32 v1, $0x10  }
0xe8: {  	v1 =	vand.u32 $0xFFFF0000, v1;
	[tilespmem:s8+$0x8390] =	vst v4;
	v3 =	vmul.f32 v5, v3  }
0xe9: {  	[tilespmem:s8+$0x83D0] =	vst v2;
	v1 =	vmul.f32 v1, v7;
	v2 =	vshll.u32 v0, $0x10  }
0xea: {  	v0 =	vand.u32 $0xFFFF0000, v0;
	[tilespmem:s8+$0x83A0] =	vst v3;
	v2 =	vmul.f32 v2, v9  }
0xeb: {  	[tilespmem:s8+$0x83E0] =	vst v1;
	v0 =	vmul.f32 v0, v8  }
0xec: {  	[tilespmem:s8+$0x83B0] =	vst v2  }
0xed: {  	[tilespmem:s8+$0x83F0] =	vst v0  }
0xee: {  	[spmem:s3] =	stream.indirect.scatter.add.f32 [tilespmem:s10], [sflag:$0x7], $0x80, s21, s31, $0xb8;
	[tilespmem:$0x1FB80] =	vst v63  }
0xef: {  	_ =	swait.ge [sflag:s26], $0x2000  }
0xf0: {  	[sflag:s26] =	ssyncset.done $0x0  }
0xf1: {  	[sflag:s26] =	ssyncadd.s32 $0xFFFFE000  }
0xf2: {  	_ =	swait.ge [sflag:s29], $0x40  }
0xf3: {  	[sflag:s29] =	ssyncset.done $0x0  }
0xf4: {  	[sflag:s29] =	ssyncadd.s32 $0xFFFFFFC0  }
0xf5: {  	_ =	swait.ge [sflag:s29], $0x40  }
0xf6: {  	s7 =	sshll.u32 s7, $0xA;
	s15 =	simm.s32 $0x300;
	[sflag:s29] =	ssyncset.done $0x0  }
0xf7: {  	s7 =	sadd.s32 s5, s7;
	s8 =	simm.s32 $0x0;
	[sflag:s29] =	ssyncadd.s32 $0xFFFFFFC0  }
0xf8: {  	[tilespmem:s15], [sflag:$0x4] =	stream.linear.gather [hbm4b:s7+s8], $0x2000, $0x38;
	[tilespmem:$0x1FB80] =	vst v63  }
0xf9: {  	s7 =	sadd.s32 s19, s9  }
0xfa: {  	p2 =	slt.s32 s7, $0x1387  }
0xfb: {  	[tilespmem:s0], [sflag:$0x4] =	stream.indirect.gather [hbm4b:s2+s31], $0x80, s28, s31, $0xb8;
	[tilespmem:$0x1FB80] =	vst v63  }
0xfc: {  	s7 =	simm.s32 @!p2 $0x1387  }
0xfd: {  	s7 =	sshll.u32 s7, $0x3  }
0xfe: {  	s30 =	sadd.s32 s6, s7  }
0xff: {  	[tilespmem:s21], [sflag:$0x2] =	stream.linear.gather [hbm4b:s30+s8], $0x40, $0x38;
	[tilespmem:$0x1FB80] =	vst v63  }
0x100: {  	s7 =	sadd.s32 s1, s7  }
0x101: {  	[tilespmem:s22], [sflag:$0x2] =	stream.linear.gather [hbm4b:s7+s8], $0x40, $0x38;
	[tilespmem:$0x1FB80] =	vst v63  }
0x102: {  	_ =	swait.ge [sflag:s25], $0x2000  }
0x103: {  	[sflag:s25] =	ssyncset.done $0x0  }
0x104: {  	[sflag:s25] =	ssyncadd.s32 $0xFFFFE000  }
0x105: {  	_ =	swait.ge [sflag:s25], $0x2000  }
0x106: {  	[sflag:s25] =	ssyncset.done $0x0  }
0x107: {  	s7 =	simm.s32 $0x0;
	[sflag:s25] =	ssyncadd.s32 $0xFFFFE000  }
0x108: {  	v3 =	vld [tilespmem:s7+$0x4300]  }
0x109: {  	v4 =	vld [tilespmem:s7+$0x4310]  }
0x10a: {  	v5 =	vld [tilespmem:s7+$0x4320]  }
0x10b: {  	v7 =	vld [tilespmem:s7+$0x4330]  }
0x10c: {  	v8 =	vld [tilespmem:s7+$0x4380]  }
0x10d: {  	v2 =	vld [tilespmem:s7+$0x4390]  }
0x10e: {  	v6 =	vld [tilespmem:s7+$0xA300]  }
0x10f: {  	v9 =	vld [tilespmem:s7+$0xA340]  }
0x110: {  	v1 =	vld [tilespmem:s7+$0x43A0]  }
0x111: {  	v10 =	vld [tilespmem:s7+$0xA310]  }
0x112: {  	v11 =	vld [tilespmem:s7+$0xA350];
	v12 =	vshll.u32 v3, $0x10  }
0x113: {  	v13 =	vld [tilespmem:s7+$0xA320];
	v3 =	vand.u32 $0xFFFF0000, v3;
	v6 =	vmul.f32 v12, v6  }
0x114: {  	v0 =	vld [tilespmem:s7+$0x43B0];
	v3 =	vmul.f32 v3, v9  }
0x115: {  	v63 =	vld [tilespmem:s7+$0xA360];
	[tilespmem:s7+$0xA300] =	vst v6;
	v6 =	vshll.u32 v4, $0x10  }
0x116: {  	v14 =	vld [tilespmem:s7+$0xA330];
	[tilespmem:s7+$0xA340] =	vst v3;
	v3 =	vand.u32 $0xFFFF0000, v4;
	v6 =	vmul.f32 v6, v10  }
0x117: {  	v9 =	vld [tilespmem:s7+$0xA370];
	v4 =	vshll.u32 v5, $0x10;
	v3 =	vmul.f32 v3, v11  }
0x118: {  	v15 =	vld [tilespmem:s7+$0xA380];
	v10 =	vmul.f32 v4, v13;
	[tilespmem:s7+$0xA310] =	vst v6  }
0x119: {  	v6 =	vld [tilespmem:s7+$0xA3C0];
	[tilespmem:s7+$0xA350] =	vst v3;
	v3 =	vand.u32 $0xFFFF0000, v5  }
0x11a: {  	v4 =	vld [tilespmem:s7+$0xA390];
	[tilespmem:s7+$0xA320] =	vst v10;
	v10 =	vshll.u32 v7, $0x10;
	v3 =	vmul.f32 v3, v63  }
0x11b: {  	v5 =	vld [tilespmem:s7+$0xA3D0];
	v7 =	vand.u32 $0xFFFF0000, v7;
	v10 =	vmul.f32 v10, v14  }
0x11c: {  	v11 =	vshll.u32 v8, $0x10;
	v9 =	vmul.f32 v7, v9;
	[tilespmem:s7+$0xA360] =	vst v3;
	v3 =	vld [tilespmem:s7+$0xA3A0]  }
0x11d: {  	s8 =	simm.s32 $0x400;
	v7 =	vld [tilespmem:s7+$0xA3E0];
	[tilespmem:s7+$0xA330] =	vst v10;
	v10 =	vand.u32 $0xFFFF0000, v8;
	v8 =	vmul.f32 v11, v15  }
.LBB2_7:
0x11e: {  	p2 =	sne.s32 s8, $0x7C00;
	[tilespmem:s7+$0xA370] =	vst v9;
	v6 =	vmul.f32 v10, v6;
	v9 =	vshll.u32 v2, $0x10;
	v10 =	vld [tilespmem:s7+$0xA3B0]  }
0x11f: {  	s9 =	sshra.s32 s8, $0x2;
	v2 =	vand.u32 $0xFFFF0000, v2;
	[tilespmem:s7+$0xA380] =	vst v8;
	v4 =	vmul.f32 v9, v4;
	v8 =	vld [tilespmem:s7+$0xA3F0]  }
0x120: {  	v9 =	vld [tilespmem:s9+$0x4300];
	[tilespmem:s7+$0xA3C0] =	vst v6;
	v2 =	vmul.f32 v2, v5;
	v5 =	vshll.u32 v1, $0x10  }
0x121: {  	v1 =	vand.u32 $0xFFFF0000, v1;
	v6 =	vld [tilespmem:s9+$0x4310];
	[tilespmem:s7+$0xA390] =	vst v4;
	v3 =	vmul.f32 v5, v3  }
0x122: {  	v4 =	vld [tilespmem:s9+$0x4320];
	[tilespmem:s7+$0xA3D0] =	vst v2;
	v1 =	vmul.f32 v1, v7;
	v2 =	vshll.u32 v0, $0x10  }
0x123: {  	v0 =	vand.u32 $0xFFFF0000, v0;
	v5 =	vld [tilespmem:s9+$0x4330];
	[tilespmem:s7+$0xA3A0] =	vst v3;
	v3 =	vmul.f32 v2, v10  }
0x124: {  	v7 =	vld [tilespmem:s9+$0x4380];
	[tilespmem:s7+$0xA3E0] =	vst v1;
	v0 =	vmul.f32 v0, v8  }
0x125: {  	v2 =	vld [tilespmem:s9+$0x4390];
	[tilespmem:s7+$0xA3B0] =	vst v3  }
0x126: {  	v1 =	vld [tilespmem:s9+$0x43A0];
	[tilespmem:s7+$0xA3F0] =	vst v0;
	s7 =	smov.u32 s9  }
0x127: {  	v0 =	vld [tilespmem:s7+$0x43B0]  }
0x128: {  	v3 =	vld [tilespmem:s7+$0xA300]  }
0x129: {  	v8 =	vld [tilespmem:s7+$0xA340]  }
0x12a: {  	v10 =	vld [tilespmem:s7+$0xA310]  }
0x12b: {  	v11 =	vld [tilespmem:s7+$0xA350]  }
0x12c: {  	v12 =	vshll.u32 v9, $0x10;
	v13 =	vld [tilespmem:s7+$0xA320]  }
0x12d: {  	v9 =	vand.u32 $0xFFFF0000, v9;
	v3 =	vmul.f32 v12, v3;
	v12 =	vld [tilespmem:s7+$0xA360]  }
0x12e: {  	v8 =	vmul.f32 v9, v8;
	v9 =	vshll.u32 v6, $0x10;
	v14 =	vld [tilespmem:s7+$0xA330]  }
0x12f: {  	[tilespmem:s7+$0xA300] =	vst v3;
	v3 =	vand.u32 $0xFFFF0000, v6;
	v6 =	vmul.f32 v9, v10;
	v9 =	vld [tilespmem:s7+$0xA370]  }
0x130: {  	[tilespmem:s7+$0xA340] =	vst v8;
	v3 =	vmul.f32 v3, v11;
	v8 =	vshll.u32 v4, $0x10;
	v11 =	vld [tilespmem:s7+$0xA380]  }
.Ltmp4:
0x131: {  	v4 =	vand.u32 $0xFFFF0000, v4;
	[tilespmem:s7+$0xA310] =	vst v6;
	v8 =	vmul.f32 v8, v13;
	v6 =	vld [tilespmem:s7+$0xA3C0];
	(pc) =	sbr.rel @p2 .LBB2_7-.Ltmp4, $4  }
0x132: {  	v10 =	vshll.u32 v5, $0x10;
	[tilespmem:s7+$0xA350] =	vst v3;
	v3 =	vmul.f32 v4, v12;
	v4 =	vld [tilespmem:s7+$0xA390]  }
0x133: {  	[tilespmem:s7+$0xA320] =	vst v8;
	v8 =	vand.u32 $0xFFFF0000, v5;
	v10 =	vmul.f32 v10, v14;
	v5 =	vld [tilespmem:s7+$0xA3D0]  }
0x134: {  	[tilespmem:s7+$0xA360] =	vst v3;
	v9 =	vmul.f32 v8, v9;
	v8 =	vshll.u32 v7, $0x10;
	v3 =	vld [tilespmem:s7+$0xA3A0]  }
0x135: {  	s8 =	sadd.s32 $0x400, s8;
	[tilespmem:s7+$0xA330] =	vst v10;
	v10 =	vand.u32 $0xFFFF0000, v7;
	v8 =	vmul.f32 v8, v11;
	v7 =	vld [tilespmem:s7+$0xA3E0]  }
0x136: {  	[tilespmem:s7+$0xA370] =	vst v9;
	v56 =	vld [tilespmem:s7+$0xA3B0];
	v6 =	vmul.f32 v10, v6;
	v57 =	vshll.u32 v2, $0x10  }
0x137: {  	v58 =	vand.u32 $0xFFFF0000, v2;
	v59 =	vld [tilespmem:s7+$0xA3F0];
	[tilespmem:s7+$0xA380] =	vst v8;
	v4 =	vmul.f32 v57, v4  }
0x138: {  	v60 =	vshll.u32 v1, $0x10;
	[tilespmem:s7+$0xA3C0] =	vst v6;
	v2 =	vmul.f32 v58, v5  }
0x139: {  	v61 =	vand.u32 $0xFFFF0000, v1;
	[tilespmem:s7+$0xA390] =	vst v4;
	v3 =	vmul.f32 v60, v3  }
0x13a: {  	v62 =	vshll.u32 v0, $0x10;
	[tilespmem:s7+$0xA3D0] =	vst v2;
	v1 =	vmul.f32 v61, v7  }
0x13b: {  	v63 =	vand.u32 $0xFFFF0000, v0;
	[tilespmem:s7+$0xA3A0] =	vst v3;
	v2 =	vmul.f32 v62, v56  }
0x13c: {  	s4 =	sadd.s32 $0x1, s4;
	v0 =	vmul.f32 v63, v59;
	[tilespmem:s7+$0xA3E0] =	vst v1  }
0x13d: {  	p2 =	sne.s32 s4, $0x34;
	[tilespmem:s7+$0xA3B0] =	vst v2  }
.Ltmp5:
0x13e: {  	[tilespmem:s7+$0xA3F0] =	vst v0;
	(pc) =	sbr.rel @p2 .LBB2_2-.Ltmp5, $4  }
0x13f: {  	[spmem:s3] =	stream.indirect.scatter.add.f32 [tilespmem:s20], [sflag:$0x7], $0x80, s11, s31, $0xb8;
	[tilespmem:$0x1FB80] =	vst v63  }
0x140: {  	_ =	swait.ge [sflag:s26], $0x2000  }
0x141: {  	[sflag:s26] =	ssyncset.done $0x0  }
0x142: {  	[sflag:s26] =	ssyncadd.s32 $0xFFFFE000  }
0x143: {  	_ =	swait.ge [sflag:s13], $0x2000  }
0x144: {  	[sflag:s13] =	ssyncset.done $0x0  }
0x145: {  	[sflag:s13] =	ssyncadd.s32 $0xFFFFE000  }
0x146: {  	_ =	swait.ge [sflag:s13], $0x2000  }
0x147: {  	[sflag:s13] =	ssyncset.done $0x0  }
0x148: {  	[sflag:s13] =	ssyncadd.s32 $0xFFFFE000  }
0x149: {  	_ =	swait.ge [sflag:s23], $0x40  }
.Ltmp6:
0x14a: {  	[sflag:s23] =	ssyncset.done $0x0;
	(pc) =	sbr.rel @p1 .LBB2_13-.Ltmp6, $4  }
0x14b: {  	[sflag:s23] =	ssyncadd.s32 $0xFFFFFFC0  }
0x14c: {  	_ =	swait.ge [sflag:s23], $0x40  }
0x14d: {  	[sflag:s23] =	ssyncset.done $0x0;
	s15 =	rddreg [dreg:$0x7]  }
0x14e: {  	s9 =	rddreg [dreg:$0x14];
	[sflag:s23] =	ssyncadd.s32 $0xFFFFFFC0  }
0x14f: {  	s4 =	simm.s32 $0x0;
	s7 =	rddreg [dreg:$0xf]  }
0x150: {  	[tilespmem:s4], [sflag:$0x7] =	stream.linear.gather [hbm4b:s7+s4], $0x40, $0x38;
	[tilespmem:$0x1FB80] =	vst v63  }
0x151: {  	_ =	swait.ge [sflag:s26], $0x40  }
0x152: {  	[sflag:s26] =	ssyncset.done $0x0  }
0x153: {  	s8 =	rddreg [dreg:$0x10];
	[sflag:s26] =	ssyncadd.s32 $0xFFFFFFC0  }
0x154: {  	[tilespmem:s28], [sflag:$0x7] =	stream.linear.gather [hbm4b:s8+s4], $0x40, $0x38;
	[tilespmem:$0x1FB80] =	vst v63  }
0x155: {  	_ =	swait.ge [sflag:s26], $0x40  }
0x156: {  	[sflag:s26] =	ssyncset.done $0x0  }
0x157: {  	s8 =	simm.s32 $0x300;
	s30 =	rddreg [dreg:$0x11];
	[sflag:s26] =	ssyncadd.s32 $0xFFFFFFC0  }
0x158: {  	[tilespmem:s8], [sflag:$0x4] =	stream.linear.gather [hbm4b:s30+s4], $0x2000, $0x38;
	[tilespmem:$0x1FB80] =	vst v63  }
0x159: {  	_ = 	snop  }
0x15a: {  	[tilespmem:s0], [sflag:$0x4] =	stream.indirect.gather [hbm4b:s2+s31], $0x80, s28, s31, $0xb8;
	[tilespmem:$0x1FB80] =	vst v63  }
0x15b: {  	_ =	swait.ge [sflag:s13], $0x2000  }
0x15c: {  	[sflag:s13] =	ssyncset.done $0x0  }
0x15d: {  	[sflag:s13] =	ssyncadd.s32 $0xFFFFE000  }
0x15e: {  	_ =	swait.ge [sflag:s13], $0x2000  }
0x15f: {  	[sflag:s13] =	ssyncset.done $0x0  }
0x160: {  	s4 =	simm.s32 $0x0;
	[sflag:s13] =	ssyncadd.s32 $0xFFFFE000  }
0x161: {  	v3 =	vld [tilespmem:s4+$0x300]  }
0x162: {  	v4 =	vld [tilespmem:s4+$0x310]  }
0x163: {  	v5 =	vld [tilespmem:s4+$0x320]  }
0x164: {  	v7 =	vld [tilespmem:s4+$0x330]  }
0x165: {  	v8 =	vld [tilespmem:s4+$0x380]  }
0x166: {  	v2 =	vld [tilespmem:s4+$0x390]  }
0x167: {  	v6 =	vld [tilespmem:s4+$0x6300]  }
0x168: {  	v9 =	vld [tilespmem:s4+$0x6340]  }
0x169: {  	v1 =	vld [tilespmem:s4+$0x3A0]  }
0x16a: {  	v10 =	vld [tilespmem:s4+$0x6310]  }
0x16b: {  	v11 =	vld [tilespmem:s4+$0x6350];
	v12 =	vshll.u32 v3, $0x10  }
0x16c: {  	v13 =	vld [tilespmem:s4+$0x6320];
	v3 =	vand.u32 $0xFFFF0000, v3;
	v6 =	vmul.f32 v12, v6  }
0x16d: {  	v0 =	vld [tilespmem:s4+$0x3B0];
	v3 =	vmul.f32 v3, v9  }
0x16e: {  	v63 =	vld [tilespmem:s4+$0x6360];
	[tilespmem:s4+$0x6300] =	vst v6;
	v6 =	vshll.u32 v4, $0x10  }
0x16f: {  	v14 =	vld [tilespmem:s4+$0x6330];
	[tilespmem:s4+$0x6340] =	vst v3;
	v3 =	vand.u32 $0xFFFF0000, v4;
	v6 =	vmul.f32 v6, v10  }
0x170: {  	v9 =	vld [tilespmem:s4+$0x6370];
	v4 =	vshll.u32 v5, $0x10;
	v3 =	vmul.f32 v3, v11  }
0x171: {  	v15 =	vld [tilespmem:s4+$0x6380];
	v10 =	vmul.f32 v4, v13;
	[tilespmem:s4+$0x6310] =	vst v6  }
0x172: {  	v6 =	vld [tilespmem:s4+$0x63C0];
	[tilespmem:s4+$0x6350] =	vst v3;
	v3 =	vand.u32 $0xFFFF0000, v5  }
0x173: {  	v4 =	vld [tilespmem:s4+$0x6390];
	[tilespmem:s4+$0x6320] =	vst v10;
	v10 =	vshll.u32 v7, $0x10;
	v3 =	vmul.f32 v3, v63  }
0x174: {  	v5 =	vld [tilespmem:s4+$0x63D0];
	v7 =	vand.u32 $0xFFFF0000, v7;
	v10 =	vmul.f32 v10, v14  }
0x175: {  	v11 =	vshll.u32 v8, $0x10;
	v9 =	vmul.f32 v7, v9;
	[tilespmem:s4+$0x6360] =	vst v3;
	v3 =	vld [tilespmem:s4+$0x63A0]  }
0x176: {  	s7 =	simm.s32 $0x400;
	v7 =	vld [tilespmem:s4+$0x63E0];
	[tilespmem:s4+$0x6330] =	vst v10;
	v10 =	vand.u32 $0xFFFF0000, v8;
	v8 =	vmul.f32 v11, v15  }
.LBB2_11:
0x177: {  	p2 =	sne.s32 s7, $0x7C00;
	[tilespmem:s4+$0x6370] =	vst v9;
	v6 =	vmul.f32 v10, v6;
	v9 =	vshll.u32 v2, $0x10;
	v10 =	vld [tilespmem:s4+$0x63B0]  }
0x178: {  	s8 =	sshra.s32 s7, $0x2;
	v2 =	vand.u32 $0xFFFF0000, v2;
	[tilespmem:s4+$0x6380] =	vst v8;
	v4 =	vmul.f32 v9, v4;
	v8 =	vld [tilespmem:s4+$0x63F0]  }
0x179: {  	v9 =	vld [tilespmem:s8+$0x300];
	[tilespmem:s4+$0x63C0] =	vst v6;
	v2 =	vmul.f32 v2, v5;
	v5 =	vshll.u32 v1, $0x10  }
0x17a: {  	v1 =	vand.u32 $0xFFFF0000, v1;
	v6 =	vld [tilespmem:s8+$0x310];
	[tilespmem:s4+$0x6390] =	vst v4;
	v3 =	vmul.f32 v5, v3  }
0x17b: {  	v4 =	vld [tilespmem:s8+$0x320];
	[tilespmem:s4+$0x63D0] =	vst v2;
	v1 =	vmul.f32 v1, v7;
	v2 =	vshll.u32 v0, $0x10  }
0x17c: {  	v0 =	vand.u32 $0xFFFF0000, v0;
	v5 =	vld [tilespmem:s8+$0x330];
	[tilespmem:s4+$0x63A0] =	vst v3;
	v3 =	vmul.f32 v2, v10  }
0x17d: {  	v7 =	vld [tilespmem:s8+$0x380];
	[tilespmem:s4+$0x63E0] =	vst v1;
	v0 =	vmul.f32 v0, v8  }
0x17e: {  	v2 =	vld [tilespmem:s8+$0x390];
	[tilespmem:s4+$0x63B0] =	vst v3  }
0x17f: {  	v1 =	vld [tilespmem:s8+$0x3A0];
	[tilespmem:s4+$0x63F0] =	vst v0;
	s4 =	smov.u32 s8  }
0x180: {  	v0 =	vld [tilespmem:s4+$0x3B0]  }
0x181: {  	v3 =	vld [tilespmem:s4+$0x6300]  }
0x182: {  	v8 =	vld [tilespmem:s4+$0x6340]  }
0x183: {  	v10 =	vld [tilespmem:s4+$0x6310]  }
0x184: {  	v11 =	vld [tilespmem:s4+$0x6350]  }
0x185: {  	v12 =	vshll.u32 v9, $0x10;
	v13 =	vld [tilespmem:s4+$0x6320]  }
0x186: {  	v9 =	vand.u32 $0xFFFF0000, v9;
	v3 =	vmul.f32 v12, v3;
	v12 =	vld [tilespmem:s4+$0x6360]  }
0x187: {  	v8 =	vmul.f32 v9, v8;
	v9 =	vshll.u32 v6, $0x10;
	v14 =	vld [tilespmem:s4+$0x6330]  }
0x188: {  	[tilespmem:s4+$0x6300] =	vst v3;
	v3 =	vand.u32 $0xFFFF0000, v6;
	v6 =	vmul.f32 v9, v10;
	v9 =	vld [tilespmem:s4+$0x6370]  }
0x189: {  	[tilespmem:s4+$0x6340] =	vst v8;
	v3 =	vmul.f32 v3, v11;
	v8 =	vshll.u32 v4, $0x10;
	v11 =	vld [tilespmem:s4+$0x6380]  }
.Ltmp7:
0x18a: {  	v4 =	vand.u32 $0xFFFF0000, v4;
	[tilespmem:s4+$0x6310] =	vst v6;
	v8 =	vmul.f32 v8, v13;
	v6 =	vld [tilespmem:s4+$0x63C0];
	(pc) =	sbr.rel @p2 .LBB2_11-.Ltmp7, $4  }
0x18b: {  	v10 =	vshll.u32 v5, $0x10;
	[tilespmem:s4+$0x6350] =	vst v3;
	v3 =	vmul.f32 v4, v12;
	v4 =	vld [tilespmem:s4+$0x6390]  }
0x18c: {  	[tilespmem:s4+$0x6320] =	vst v8;
	v8 =	vand.u32 $0xFFFF0000, v5;
	v10 =	vmul.f32 v10, v14;
	v5 =	vld [tilespmem:s4+$0x63D0]  }
0x18d: {  	[tilespmem:s4+$0x6360] =	vst v3;
	v9 =	vmul.f32 v8, v9;
	v8 =	vshll.u32 v7, $0x10;
	v3 =	vld [tilespmem:s4+$0x63A0]  }
0x18e: {  	s7 =	sadd.s32 $0x400, s7;
	[tilespmem:s4+$0x6330] =	vst v10;
	v10 =	vand.u32 $0xFFFF0000, v7;
	v8 =	vmul.f32 v8, v11;
	v7 =	vld [tilespmem:s4+$0x63E0]  }
0x18f: {  	[tilespmem:s4+$0x6370] =	vst v9;
	v56 =	vld [tilespmem:s4+$0x63B0];
	v6 =	vmul.f32 v10, v6;
	v57 =	vshll.u32 v2, $0x10  }
0x190: {  	v58 =	vand.u32 $0xFFFF0000, v2;
	v59 =	vld [tilespmem:s4+$0x63F0];
	[tilespmem:s4+$0x6380] =	vst v8;
	v4 =	vmul.f32 v57, v4  }
0x191: {  	v60 =	vshll.u32 v1, $0x10;
	[tilespmem:s4+$0x63C0] =	vst v6;
	v2 =	vmul.f32 v58, v5  }
0x192: {  	v61 =	vand.u32 $0xFFFF0000, v1;
	[tilespmem:s4+$0x6390] =	vst v4;
	v3 =	vmul.f32 v60, v3  }
0x193: {  	v62 =	vshll.u32 v0, $0x10;
	[tilespmem:s4+$0x63D0] =	vst v2;
	v1 =	vmul.f32 v61, v7  }
0x194: {  	v63 =	vand.u32 $0xFFFF0000, v0;
	[tilespmem:s4+$0x63A0] =	vst v3;
	v2 =	vmul.f32 v62, v56  }
0x195: {  	v0 =	vmul.f32 v63, v59;
	[tilespmem:s4+$0x63E0] =	vst v1  }
0x196: {  	[tilespmem:s4+$0x63B0] =	vst v2  }
.Ltmp8:
0x197: {  	s30 =	simm.s32 $0x0;
	[tilespmem:s4+$0x63F0] =	vst v0;
	(pc) =	sbr.rel .LBB2_13-.Ltmp8, $4  }
0x198: {  	[spmem:s3] =	stream.indirect.scatter.add.f32 [tilespmem:s0], [sflag:$0x7], $0x80, s30, s31, $0xb8;
	[tilespmem:$0x1FB80] =	vst v63  }
0x199: {  	_ =	swait.ge [sflag:s26], $0x2000  }
0x19a: {  	[sflag:s26] =	ssyncset.done $0x0  }
0x19b: {  	[sflag:s26] =	ssyncadd.s32 $0xFFFFE000  }
.LBB2_14:
0x19c: {  	_ =	sfence.sel $0x180000  }
0x19d: {  	[bflag:$0x0] =	sbarrier.arrive $0xFFFF  }
0x19e: {  	_ =	strace $0x90000047  }
0x19f: {  	[bflag:$0x2] =	sbarrier.arrive $0xFFFF  }
0x1a0: {  	s0 =	rddreg [dreg:$0x4]  }
0x1a1: {  	s0 =	sadd.s32 @!p0 $0x100000, s0  }
0x1a2: {  	[sflag:s0] =	ssyncadd.tile.s32 @!p0 $0x1;
	_ =	shalt  }
.Lfunc_end2:
_tile_overlayer_lowered:
.L_overlay_start_2:
0x1a3: {  	(tag) =	ssettag $0x2  }
0x1a4: {  	s0 =	rddreg [dreg:$0x0];
	s2 =	stileid.u32  }
0x1a5: {  	s1 =	rddreg [dreg:$0x1];
	p0 =	sne.s32 s2, $0x0  }
0x1a6: {  	s3 =	rddreg [dreg:$0x2];
	[bflag:$0x3] =	sbarrier.arrive $0xFFFF;
	s2 =	simm.s32 @!p0 $0x1C07  }
0x1a7: {  	[timem:s3], [sflag:s2] =	dma.local @!p0 [hbm:s0], s1  }
0x1a8: {  	s0 =	simm.s32 @!p0 $0x7  }
0x1a9: {  	_ =	swait.ge @!p0 [sflag:s0], s1  }
0x1aa: {  	s1 =	ssub.s32 @!p0 $0x0, s1;
	[sflag:s0] =	ssyncset.done @!p0 $0x0  }
0x1ab: {  	[sflag:s0] =	ssyncadd.s32 @!p0 s1  }
0x1ac: {  	[bflag:$0x3] =	sbarrier.arrive $0xFFFF  }
0x1ad: {  	_ =	shalt  }

</sc_bundles>
